<compile_context>
chip_gen: v7x
topology: tpu7x:2x2x1
jax: 0.10.2.dev20260603
libtpu: 0.0.44.dev20260713+nightly
codegen_flags: <defaults>
</compile_context>

<pallas_src>
import jax
import jax.numpy as jnp
from jax import lax
from jax.experimental import pallas as pl
from jax.experimental.pallas import tpu as pltpu
from jax.experimental.pallas import tpu_sc as plsc

NUM_UTTS = 16
NUM_PATHS = 3200
TOTAL_ARCS = 1638400

NC = 2
NS = 16
L = 16
NW = NC * NS
ARCS_PER_WORKER = TOTAL_ARCS // NW
VECS_PER_WORKER = ARCS_PER_WORKER // L


CHUNK_SIZES = (3200, 16000, 16000, 16000)
CHUNK_OFFS = (0, 3200, 19200, 35200)
NCHUNKS = len(CHUNK_SIZES)


def _sc_segment_sum_body(
    scores_hbm, ids_hbm, out_hbm, scores_v, ids_v, acc_v, *sems
):
    wid = lax.axis_index("s") * NC + lax.axis_index("c")
    base = wid * ARCS_PER_WORKER
    lane = jax.lax.iota(jnp.int32, L)
    zeros = jnp.zeros((L,), jnp.float32)
    is_last_lane = lane == (L - 1)
    shift_up = jnp.minimum(lane + 1, L - 1)

    def start(k):
        off, n = CHUNK_OFFS[k], CHUNK_SIZES[k]
        sl = pl.ds(base + off, n)
        dst = pl.ds(off, n)
        return (
            pltpu.async_copy(scores_hbm.at[sl], scores_v.at[dst], sems[k]),
            pltpu.async_copy(ids_hbm.at[sl], ids_v.at[dst], sems[k]),
        )

    pending = [start(k) for k in range(NCHUNKS)]

    with jax.named_scope("acc_zero"):

        @plsc.parallel_loop(0, NUM_PATHS // L, unroll=4)
        def zero_body(i):
            acc_v[pl.ds(i * L, L)] = zeros

    for k in range(NCHUNKS):
        v0 = CHUNK_OFFS[k] // L
        with jax.named_scope("dma_wait"):
            for h in pending[k]:
                h.wait()

        with jax.named_scope("scatter"):

            @plsc.parallel_loop(v0, v0 + CHUNK_SIZES[k] // L, unroll=4)
            def scatter_body(i):
                idx = ids_v[pl.ds(i * L, L)]
                val = scores_v[pl.ds(i * L, L)]
                idn = jnp.take_along_axis(
                    idx, shift_up, axis=0,
                    mode=lax.GatherScatterMode.PROMISE_IN_BOUNDS,
                )
                s = plsc.cumsum(val)
                bnd = jnp.not_equal(idx, idn)
                plsc.addupdate_scatter(acc_v, [idx], s, mask=bnd | is_last_lane)
                plsc.addupdate_scatter(acc_v, [idn], -s, mask=bnd)

    pltpu.sync_copy(acc_v, out_hbm.at[wid])


@jax.jit
def _sc_segment_sum(arc_scores, arc_to_path):
    mesh = plsc.VectorSubcoreMesh(
        core_axis_name="c", subcore_axis_name="s", num_cores=NC, num_subcores=NS
    )
    return pl.kernel(
        _sc_segment_sum_body,
        out_type=jax.ShapeDtypeStruct((NW, NUM_PATHS), jnp.float32),
        mesh=mesh,
        scratch_types=[
            pltpu.VMEM((ARCS_PER_WORKER,), jnp.float32),
            pltpu.VMEM((ARCS_PER_WORKER,), jnp.int32),
            pltpu.VMEM((NUM_PATHS,), jnp.float32),
        ]
        + [pltpu.SemaphoreType.DMA] * NCHUNKS,
        compiler_params=pltpu.CompilerParams(needs_layout_passes=False),
        name="mwer_segment_sum_sc",
    )(arc_scores, arc_to_path)


def _tc_tail_body(partials_ref, wers_ref, utt_ref, out_ref):
    path_logp = jnp.sum(partials_ref[...], axis=0, keepdims=True)
    prob = jnp.exp(path_logp)
    pw = prob * wers_ref[...].reshape(1, NUM_PATHS)
    utt = utt_ref[...].reshape(1, NUM_PATHS)
    loss = jnp.float32(0.0)
    for u in range(NUM_UTTS):
        m = utt == u
        den = jnp.sum(jnp.where(m, prob, 0.0))
        num = jnp.sum(jnp.where(m, pw, 0.0))
        loss = loss + jnp.where(den > 0, num / den, 0.0)
    out_ref[...] = jnp.broadcast_to(loss, (1, 1))


@jax.jit
def _tc_tail(partials, wers, path_to_utt):
    return pl.pallas_call(
        _tc_tail_body,
        out_shape=jax.ShapeDtypeStruct((1, 1), jnp.float32),
    )(partials, wers, path_to_utt)


def kernel(arc_scores, wers, arc_to_path, path_to_utt):
    partials = _sc_segment_sum(arc_scores, arc_to_path)
    loss = _tc_tail(partials, wers, path_to_utt)
    return loss[0, 0]

# --- scband reference (transcript-rebuilt; emitter-appended) ---
"""Pipeline reference for scband-mwerloss-77309411328471 (READ-ONLY COPY).

The authoritative reference and input builder live on the scoring server;
editing this copy changes nothing except your own understanding.
"""

import jax, jax.numpy as jnp
import numpy as np

TEMPERATURE = 1.0
NUM_UTTS = 16
NUM_PATHS = 3200
TOTAL_ARCS = 1638400


def setup_inputs(seed: int = 0) -> dict:
    key = jax.random.key(seed)
    k1, k2, k3, k4 = jax.random.split(key, 4)
    # Per-arc log-probs along each sampled n-best path (k2 lattice arc scores).
    # Scaled small so per-path sums (~512 arcs) stay in a safe exp() range,
    # mimicking nbest_scale-tempered lattice scores.
    arc_scores = jax.random.normal(k1, (TOTAL_ARCS,), dtype=jnp.float32) * 0.01
    # Per-path word error counts (wers = -tot_scores of levenshtein alignment).
    wers = jax.random.uniform(k2, (NUM_PATHS,), dtype=jnp.float32) * 20.0
    # Ragged [path][arc] structure: sorted arc->path row ids (nbest.kept_path.shape).
    arc_to_path = jnp.sort(jax.random.randint(k3, (TOTAL_ARCS,), 0, NUM_PATHS, dtype=jnp.int32))
    # Ragged [utt][path] structure: sorted path->utt row ids (nbest.shape.row_ids(1)).
    path_to_utt = jnp.sort(jax.random.randint(k4, (NUM_PATHS,), 0, NUM_UTTS, dtype=jnp.int32))
    return {
        "arc_scores": arc_scores,
        "wers": wers,
        "arc_to_path": arc_to_path,
        "path_to_utt": path_to_utt,
    }


def reference(arc_scores, wers, arc_to_path, path_to_utt):
    # path_logp = ragged_nbest_logp.sum() / temperature
    path_logp = jax.ops.segment_sum(arc_scores, arc_to_path, num_segments=NUM_PATHS) / TEMPERATURE
    # ragged_path_prob = RaggedTensor(nbest.shape, path_logp.exp())
    path_prob = jnp.exp(path_logp)
    # den_prob = ragged_path_prob.sum()  (sum over paths within each utterance)
    den_prob = jax.ops.segment_sum(path_prob, path_to_utt, num_segments=NUM_UTTS)
    # den_logp = index_select(den_prob.log(), 0, row_ids(1))
    den_logp = jnp.take(jnp.log(den_prob), path_to_utt, axis=0)
    # prob_normalized = (path_logp - den_logp).exp()
    prob_normalized = jnp.exp(path_logp - den_logp)
    # loss = (prob_normalized * wers).sum()
    loss = jnp.sum(prob_normalized * wers)
    return loss

if __name__ == "__main__":
    import jax
    _d = setup_inputs()
    print(jax.jit(kernel)(*tuple(_d.values())))

</pallas_src>

<mosaic_0001>
#map = affine_map<(d0, d1) -> (0)>
#map1 = affine_map<(d0, d1) -> (0, 0)>
module attributes {stable_mosaic.version = 14 : i64} {
  func.func @mwer_segment_sum_sc(%arg0: i32, %arg1: i32, %arg2: memref<1638400xf32, #tpu.memory_space<hbm>>, %arg3: memref<1638400xi32, #tpu.memory_space<hbm>>, %arg4: memref<32x3200xf32, #tpu.memory_space<hbm>>, %arg5: memref<51200xf32, #tpu.memory_space<vmem>>, %arg6: memref<51200xi32, #tpu.memory_space<vmem>>, %arg7: memref<3200xf32, #tpu.memory_space<vmem>>, %arg8: memref<!tpu.dma_semaphore, #tpu.memory_space<semaphore_mem>>, %arg9: memref<!tpu.dma_semaphore, #tpu.memory_space<semaphore_mem>>, %arg10: memref<!tpu.dma_semaphore, #tpu.memory_space<semaphore_mem>>, %arg11: memref<!tpu.dma_semaphore, #tpu.memory_space<semaphore_mem>>) attributes {dimension_semantics = [#tpu.dimension_semantics<core_parallel>, #tpu.dimension_semantics<subcore_parallel>], iteration_bounds = array<i64: 2, 16>, scalar_prefetch = 0 : i64, scratch_operands = 7 : i64, tpu.core_type = #tpu.core_type<sc_vector_subcore>, window_params = [{transform_indices = #map}, {transform_indices = #map}, {transform_indices = #map1}]} {
    %mul3A = arith.constant 2 : i32
    %mul3A_0 = arith.muli %arg1, %mul3A : i32
    %add3A = arith.addi %mul3A_0, %arg0 : i32
    %mul3A_1 = arith.constant 51200 : i32
    %mul3A_2 = arith.muli %add3A, %mul3A_1 : i32
    %iota3A = tpu.iota {dimensions = array<i32: 0>} : vector<16xi32>
    %broadcast_in_dim3A = arith.constant 0.000000e+00 : f32
    %broadcast_in_dim3A_3 = vector.broadcast %broadcast_in_dim3A : f32 to vector<16xf32>
    %eq3A = arith.constant 15 : i32
    %eq3A_4 = vector.broadcast %eq3A : i32 to vector<16xi32>
    %eq3A_5 = arith.cmpi eq, %iota3A, %eq3A_4 : vector<16xi32>
    %add3A_6 = arith.constant 1 : i32
    %add3A_7 = vector.broadcast %add3A_6 : i32 to vector<16xi32>
    %add3A_8 = arith.addi %iota3A, %add3A_7 : vector<16xi32>
    %min3A = arith.constant 15 : i32
    %min3A_9 = vector.broadcast %min3A : i32 to vector<16xi32>
    %min3A_10 = arith.minsi %add3A_8, %min3A_9 : vector<16xi32>
    %add3A_11 = arith.constant 0 : i32
    %add3A_12 = arith.addi %mul3A_2, %add3A_11 : i32
    %dma_start3A = arith.constant 0 : i32
    %dma_start3A_13 = tpu.memref_slice %arg5[%dma_start3A] : memref<51200xf32, #tpu.memory_space<vmem>> -> memref<3200xf32, #tpu.memory_space<vmem>>
    %dma_start3A_14 = tpu.memref_slice %arg2[%add3A_12] : memref<1638400xf32, #tpu.memory_space<hbm>> -> memref<3200xf32, #tpu.memory_space<hbm>>
    %dma_start3A_15 = arith.constant 0 : i32
    %dma_start3A_16 = tpu.memref_slice %arg5[%dma_start3A_15] : memref<51200xf32, #tpu.memory_space<vmem>> -> memref<3200xf32, #tpu.memory_space<vmem>>
    %dma_start3A_17 = tpu.memref_slice %arg2[%add3A_12] : memref<1638400xf32, #tpu.memory_space<hbm>> -> memref<3200xf32, #tpu.memory_space<hbm>>
    tpu.enqueue_dma source(%dma_start3A_17 : memref<3200xf32, #tpu.memory_space<hbm>>) target(%dma_start3A_16 : memref<3200xf32, #tpu.memory_space<vmem>>) target_semaphore(%arg8 : memref<!tpu.dma_semaphore, #tpu.memory_space<semaphore_mem>>)
    %dma_start3A_18 = arith.constant 0 : i32
    %dma_start3A_19 = tpu.memref_slice %arg6[%dma_start3A_18] : memref<51200xi32, #tpu.memory_space<vmem>> -> memref<3200xi32, #tpu.memory_space<vmem>>
    %dma_start3A_20 = tpu.memref_slice %arg3[%add3A_12] : memref<1638400xi32, #tpu.memory_space<hbm>> -> memref<3200xi32, #tpu.memory_space<hbm>>
    %dma_start3A_21 = arith.constant 0 : i32
    %dma_start3A_22 = tpu.memref_slice %arg6[%dma_start3A_21] : memref<51200xi32, #tpu.memory_space<vmem>> -> memref<3200xi32, #tpu.memory_space<vmem>>
    %dma_start3A_23 = tpu.memref_slice %arg3[%add3A_12] : memref<1638400xi32, #tpu.memory_space<hbm>> -> memref<3200xi32, #tpu.memory_space<hbm>>
    tpu.enqueue_dma source(%dma_start3A_23 : memref<3200xi32, #tpu.memory_space<hbm>>) target(%dma_start3A_22 : memref<3200xi32, #tpu.memory_space<vmem>>) target_semaphore(%arg8 : memref<!tpu.dma_semaphore, #tpu.memory_space<semaphore_mem>>)
    %add3A_24 = arith.constant 3200 : i32
    %add3A_25 = arith.addi %mul3A_2, %add3A_24 : i32
    %dma_start3A_26 = arith.constant 3200 : i32
    %dma_start3A_27 = tpu.memref_slice %arg5[%dma_start3A_26] : memref<51200xf32, #tpu.memory_space<vmem>> -> memref<16000xf32, #tpu.memory_space<vmem>>
    %dma_start3A_28 = tpu.memref_slice %arg2[%add3A_25] : memref<1638400xf32, #tpu.memory_space<hbm>> -> memref<16000xf32, #tpu.memory_space<hbm>>
    %dma_start3A_29 = arith.constant 3200 : i32
    %dma_start3A_30 = tpu.memref_slice %arg5[%dma_start3A_29] : memref<51200xf32, #tpu.memory_space<vmem>> -> memref<16000xf32, #tpu.memory_space<vmem>>
    %dma_start3A_31 = tpu.memref_slice %arg2[%add3A_25] : memref<1638400xf32, #tpu.memory_space<hbm>> -> memref<16000xf32, #tpu.memory_space<hbm>>
    tpu.enqueue_dma source(%dma_start3A_31 : memref<16000xf32, #tpu.memory_space<hbm>>) target(%dma_start3A_30 : memref<16000xf32, #tpu.memory_space<vmem>>) target_semaphore(%arg9 : memref<!tpu.dma_semaphore, #tpu.memory_space<semaphore_mem>>)
    %dma_start3A_32 = arith.constant 3200 : i32
    %dma_start3A_33 = tpu.memref_slice %arg6[%dma_start3A_32] : memref<51200xi32, #tpu.memory_space<vmem>> -> memref<16000xi32, #tpu.memory_space<vmem>>
    %dma_start3A_34 = tpu.memref_slice %arg3[%add3A_25] : memref<1638400xi32, #tpu.memory_space<hbm>> -> memref<16000xi32, #tpu.memory_space<hbm>>
    %dma_start3A_35 = arith.constant 3200 : i32
    %dma_start3A_36 = tpu.memref_slice %arg6[%dma_start3A_35] : memref<51200xi32, #tpu.memory_space<vmem>> -> memref<16000xi32, #tpu.memory_space<vmem>>
    %dma_start3A_37 = tpu.memref_slice %arg3[%add3A_25] : memref<1638400xi32, #tpu.memory_space<hbm>> -> memref<16000xi32, #tpu.memory_space<hbm>>
    tpu.enqueue_dma source(%dma_start3A_37 : memref<16000xi32, #tpu.memory_space<hbm>>) target(%dma_start3A_36 : memref<16000xi32, #tpu.memory_space<vmem>>) target_semaphore(%arg9 : memref<!tpu.dma_semaphore, #tpu.memory_space<semaphore_mem>>)
    %add3A_38 = arith.constant 19200 : i32
    %add3A_39 = arith.addi %mul3A_2, %add3A_38 : i32
    %dma_start3A_40 = arith.constant 19200 : i32
    %dma_start3A_41 = tpu.memref_slice %arg5[%dma_start3A_40] : memref<51200xf32, #tpu.memory_space<vmem>> -> memref<16000xf32, #tpu.memory_space<vmem>>
    %dma_start3A_42 = tpu.memref_slice %arg2[%add3A_39] : memref<1638400xf32, #tpu.memory_space<hbm>> -> memref<16000xf32, #tpu.memory_space<hbm>>
    %dma_start3A_43 = arith.constant 19200 : i32
    %dma_start3A_44 = tpu.memref_slice %arg5[%dma_start3A_43] : memref<51200xf32, #tpu.memory_space<vmem>> -> memref<16000xf32, #tpu.memory_space<vmem>>
    %dma_start3A_45 = tpu.memref_slice %arg2[%add3A_39] : memref<1638400xf32, #tpu.memory_space<hbm>> -> memref<16000xf32, #tpu.memory_space<hbm>>
    tpu.enqueue_dma source(%dma_start3A_45 : memref<16000xf32, #tpu.memory_space<hbm>>) target(%dma_start3A_44 : memref<16000xf32, #tpu.memory_space<vmem>>) target_semaphore(%arg10 : memref<!tpu.dma_semaphore, #tpu.memory_space<semaphore_mem>>)
    %dma_start3A_46 = arith.constant 19200 : i32
    %dma_start3A_47 = tpu.memref_slice %arg6[%dma_start3A_46] : memref<51200xi32, #tpu.memory_space<vmem>> -> memref<16000xi32, #tpu.memory_space<vmem>>
    %dma_start3A_48 = tpu.memref_slice %arg3[%add3A_39] : memref<1638400xi32, #tpu.memory_space<hbm>> -> memref<16000xi32, #tpu.memory_space<hbm>>
    %dma_start3A_49 = arith.constant 19200 : i32
    %dma_start3A_50 = tpu.memref_slice %arg6[%dma_start3A_49] : memref<51200xi32, #tpu.memory_space<vmem>> -> memref<16000xi32, #tpu.memory_space<vmem>>
    %dma_start3A_51 = tpu.memref_slice %arg3[%add3A_39] : memref<1638400xi32, #tpu.memory_space<hbm>> -> memref<16000xi32, #tpu.memory_space<hbm>>
    tpu.enqueue_dma source(%dma_start3A_51 : memref<16000xi32, #tpu.memory_space<hbm>>) target(%dma_start3A_50 : memref<16000xi32, #tpu.memory_space<vmem>>) target_semaphore(%arg10 : memref<!tpu.dma_semaphore, #tpu.memory_space<semaphore_mem>>)
    %add3A_52 = arith.constant 35200 : i32
    %add3A_53 = arith.addi %mul3A_2, %add3A_52 : i32
    %dma_start3A_54 = arith.constant 35200 : i32
    %dma_start3A_55 = tpu.memref_slice %arg5[%dma_start3A_54] : memref<51200xf32, #tpu.memory_space<vmem>> -> memref<16000xf32, #tpu.memory_space<vmem>>
    %dma_start3A_56 = tpu.memref_slice %arg2[%add3A_53] : memref<1638400xf32, #tpu.memory_space<hbm>> -> memref<16000xf32, #tpu.memory_space<hbm>>
    %dma_start3A_57 = arith.constant 35200 : i32
    %dma_start3A_58 = tpu.memref_slice %arg5[%dma_start3A_57] : memref<51200xf32, #tpu.memory_space<vmem>> -> memref<16000xf32, #tpu.memory_space<vmem>>
    %dma_start3A_59 = tpu.memref_slice %arg2[%add3A_53] : memref<1638400xf32, #tpu.memory_space<hbm>> -> memref<16000xf32, #tpu.memory_space<hbm>>
    tpu.enqueue_dma source(%dma_start3A_59 : memref<16000xf32, #tpu.memory_space<hbm>>) target(%dma_start3A_58 : memref<16000xf32, #tpu.memory_space<vmem>>) target_semaphore(%arg11 : memref<!tpu.dma_semaphore, #tpu.memory_space<semaphore_mem>>)
    %dma_start3A_60 = arith.constant 35200 : i32
    %dma_start3A_61 = tpu.memref_slice %arg6[%dma_start3A_60] : memref<51200xi32, #tpu.memory_space<vmem>> -> memref<16000xi32, #tpu.memory_space<vmem>>
    %dma_start3A_62 = tpu.memref_slice %arg3[%add3A_53] : memref<1638400xi32, #tpu.memory_space<hbm>> -> memref<16000xi32, #tpu.memory_space<hbm>>
    %dma_start3A_63 = arith.constant 35200 : i32
    %dma_start3A_64 = tpu.memref_slice %arg6[%dma_start3A_63] : memref<51200xi32, #tpu.memory_space<vmem>> -> memref<16000xi32, #tpu.memory_space<vmem>>
    %dma_start3A_65 = tpu.memref_slice %arg3[%add3A_53] : memref<1638400xi32, #tpu.memory_space<hbm>> -> memref<16000xi32, #tpu.memory_space<hbm>>
    tpu.enqueue_dma source(%dma_start3A_65 : memref<16000xi32, #tpu.memory_space<hbm>>) target(%dma_start3A_64 : memref<16000xi32, #tpu.memory_space<vmem>>) target_semaphore(%arg11 : memref<!tpu.dma_semaphore, #tpu.memory_space<semaphore_mem>>)
    %parallel_loop3A = arith.constant 0 : i32
    %parallel_loop3A_66 = arith.constant 200 : i32
    %parallel_loop3A_67 = arith.constant 1 : i32
    "tpu.trace_start"() <{level = 10 : i32, message = "acc_zero"}> : () -> ()
    scf.for %parallel_loop3A_127 = %parallel_loop3A to %parallel_loop3A_66 step %parallel_loop3A_67  : i32 {
      %parallel_loop3A_128 = arith.constant 16 : i32
      %parallel_loop3A_129 = arith.muli %parallel_loop3A_127, %parallel_loop3A_128 : i32
      %parallel_loop3A_130 = arith.index_cast %parallel_loop3A_129 : i32 to index
      %parallel_loop3A_131 = tpu.vector_load %arg7[%parallel_loop3A_130] {strides = array<i32>} : memref<3200xf32, #tpu.memory_space<vmem>>, vector<16xf32>,
      tpu.vector_store %arg7[%parallel_loop3A_130], %broadcast_in_dim3A_3 {strides = array<i32>} : memref<3200xf32, #tpu.memory_space<vmem>>, vector<16xf32>,
    } {sc.loop_unroll_factor = 4 : i64, sc.parallel_access}
    "tpu.trace_stop"() : () -> ()
    "tpu.trace_start"() <{level = 10 : i32, message = "dma_wait"}> : () -> ()
    %dma_wait3A = arith.constant 0 : i32
    %dma_wait3A_68 = tpu.memref_slice %arg5[%dma_wait3A] : memref<51200xf32, #tpu.memory_space<vmem>> -> memref<3200xf32, #tpu.memory_space<vmem>>
    %dma_wait3A_69 = tpu.memref_slice %arg2[%add3A_12] : memref<1638400xf32, #tpu.memory_space<hbm>> -> memref<3200xf32, #tpu.memory_space<hbm>>
    %dma_wait3A_70 = arith.constant 0 : i32
    %dma_wait3A_71 = tpu.memref_slice %arg5[%dma_wait3A_70] : memref<51200xf32, #tpu.memory_space<vmem>> -> memref<3200xf32, #tpu.memory_space<vmem>>
    %dma_wait3A_72 = tpu.memref_slice %arg2[%add3A_12] : memref<1638400xf32, #tpu.memory_space<hbm>> -> memref<3200xf32, #tpu.memory_space<hbm>>
    tpu.wait_dma2 semaphore(%arg8 : memref<!tpu.dma_semaphore, #tpu.memory_space<semaphore_mem>>) src(%dma_wait3A_72 : memref<3200xf32, #tpu.memory_space<hbm>>) dst(%dma_wait3A_71 : memref<3200xf32, #tpu.memory_space<vmem>>)
    %dma_wait3A_73 = arith.constant 0 : i32
    %dma_wait3A_74 = tpu.memref_slice %arg6[%dma_wait3A_73] : memref<51200xi32, #tpu.memory_space<vmem>> -> memref<3200xi32, #tpu.memory_space<vmem>>
    %dma_wait3A_75 = tpu.memref_slice %arg3[%add3A_12] : memref<1638400xi32, #tpu.memory_space<hbm>> -> memref<3200xi32, #tpu.memory_space<hbm>>
    %dma_wait3A_76 = arith.constant 0 : i32
    %dma_wait3A_77 = tpu.memref_slice %arg6[%dma_wait3A_76] : memref<51200xi32, #tpu.memory_space<vmem>> -> memref<3200xi32, #tpu.memory_space<vmem>>
    %dma_wait3A_78 = tpu.memref_slice %arg3[%add3A_12] : memref<1638400xi32, #tpu.memory_space<hbm>> -> memref<3200xi32, #tpu.memory_space<hbm>>
    tpu.wait_dma2 semaphore(%arg8 : memref<!tpu.dma_semaphore, #tpu.memory_space<semaphore_mem>>) src(%dma_wait3A_78 : memref<3200xi32, #tpu.memory_space<hbm>>) dst(%dma_wait3A_77 : memref<3200xi32, #tpu.memory_space<vmem>>)
    %parallel_loop3A_79 = arith.constant 0 : i32
    %parallel_loop3A_80 = arith.constant 200 : i32
    %parallel_loop3A_81 = arith.constant 1 : i32
    "tpu.trace_stop"() : () -> ()
    "tpu.trace_start"() <{level = 10 : i32, message = "scatter"}> : () -> ()
    scf.for %parallel_loop3A_127 = %parallel_loop3A_79 to %parallel_loop3A_80 step %parallel_loop3A_81  : i32 {
      %parallel_loop3A_128 = arith.constant 16 : i32
      %parallel_loop3A_129 = arith.muli %parallel_loop3A_127, %parallel_loop3A_128 : i32
      %parallel_loop3A_130 = arith.index_cast %parallel_loop3A_129 : i32 to index
      %parallel_loop3A_131 = tpu.vector_load %arg6[%parallel_loop3A_130] {strides = array<i32>} : memref<51200xi32, #tpu.memory_space<vmem>>, vector<16xi32>,
      %parallel_loop3A_132 = arith.constant 16 : i32
      %parallel_loop3A_133 = arith.muli %parallel_loop3A_127, %parallel_loop3A_132 : i32
      %parallel_loop3A_134 = arith.index_cast %parallel_loop3A_133 : i32 to index
      %parallel_loop3A_135 = tpu.vector_load %arg5[%parallel_loop3A_134] {strides = array<i32>} : memref<51200xf32, #tpu.memory_space<vmem>>, vector<16xf32>,
      %parallel_loop3A_136 = arith.constant 0 : i32
      %parallel_loop3A_137 = vector.broadcast %parallel_loop3A_136 : i32 to vector<16xi32>
      %parallel_loop3A_138 = arith.cmpi slt, %min3A_10, %parallel_loop3A_137 : vector<16xi32>
      %parallel_loop3A_139 = arith.constant 16 : i32
      %parallel_loop3A_140 = vector.broadcast %parallel_loop3A_139 : i32 to vector<16xi32>
      %parallel_loop3A_141 = arith.addi %min3A_10, %parallel_loop3A_140 : vector<16xi32>
      %parallel_loop3A_142 = arith.select %parallel_loop3A_138, %parallel_loop3A_141, %min3A_10 : vector<16xi1>, vector<16xi32>
      %parallel_loop3A_143 = vector.shape_cast %parallel_loop3A_142 : vector<16xi32> to vector<16x1xi32>
      %parallel_loop3A_144 = vector.shape_cast %parallel_loop3A_143 : vector<16x1xi32> to vector<16xi32>
      %parallel_loop3A_145 = tpu.dynamic_gather %parallel_loop3A_131[%parallel_loop3A_144] in [0] : vector<16xi32>, vector<16xi32> -> vector<16xi32>
      %parallel_loop3A_146 = arith.constant true
      %parallel_loop3A_147 = vector.broadcast %parallel_loop3A_146 : i1 to vector<16xi1>
      %parallel_loop3A_148 = tpu.scan <sum>, %parallel_loop3A_135 masked %parallel_loop3A_147 : vector<16xf32>, vector<16xi1> -> vector<16xf32>
      %parallel_loop3A_149 = arith.cmpi ne, %parallel_loop3A_131, %parallel_loop3A_145 : vector<16xi32>
      %parallel_loop3A_150 = arith.ori %parallel_loop3A_149, %eq3A_5 : vector<16xi1>
      tpu.vector_store_idx %arg7[%parallel_loop3A_131], %parallel_loop3A_148 masked %parallel_loop3A_150 {add = true} : memref<3200xf32, #tpu.memory_space<vmem>>[vector<16xi32>], vector<16xf32>, vector<16xi1>
      %parallel_loop3A_151 = arith.constant 0.000000e+00 : f32
      %parallel_loop3A_152 = vector.broadcast %parallel_loop3A_151 : f32 to vector<16xf32>
      %parallel_loop3A_153 = arith.subf %parallel_loop3A_152, %parallel_loop3A_148 : vector<16xf32>
      tpu.vector_store_idx %arg7[%parallel_loop3A_145], %parallel_loop3A_153 masked %parallel_loop3A_149 {add = true} : memref<3200xf32, #tpu.memory_space<vmem>>[vector<16xi32>], vector<16xf32>, vector<16xi1>
    } {sc.loop_unroll_factor = 4 : i64, sc.parallel_access}
    "tpu.trace_stop"() : () -> ()
    "tpu.trace_start"() <{level = 10 : i32, message = "dma_wait"}> : () -> ()
    %dma_wait3A_82 = arith.constant 3200 : i32
    %dma_wait3A_83 = tpu.memref_slice %arg5[%dma_wait3A_82] : memref<51200xf32, #tpu.memory_space<vmem>> -> memref<16000xf32, #tpu.memory_space<vmem>>
    %dma_wait3A_84 = tpu.memref_slice %arg2[%add3A_25] : memref<1638400xf32, #tpu.memory_space<hbm>> -> memref<16000xf32, #tpu.memory_space<hbm>>
    %dma_wait3A_85 = arith.constant 3200 : i32
    %dma_wait3A_86 = tpu.memref_slice %arg5[%dma_wait3A_85] : memref<51200xf32, #tpu.memory_space<vmem>> -> memref<16000xf32, #tpu.memory_space<vmem>>
    %dma_wait3A_87 = tpu.memref_slice %arg2[%add3A_25] : memref<1638400xf32, #tpu.memory_space<hbm>> -> memref<16000xf32, #tpu.memory_space<hbm>>
    tpu.wait_dma2 semaphore(%arg9 : memref<!tpu.dma_semaphore, #tpu.memory_space<semaphore_mem>>) src(%dma_wait3A_87 : memref<16000xf32, #tpu.memory_space<hbm>>) dst(%dma_wait3A_86 : memref<16000xf32, #tpu.memory_space<vmem>>)
    %dma_wait3A_88 = arith.constant 3200 : i32
    %dma_wait3A_89 = tpu.memref_slice %arg6[%dma_wait3A_88] : memref<51200xi32, #tpu.memory_space<vmem>> -> memref<16000xi32, #tpu.memory_space<vmem>>
    %dma_wait3A_90 = tpu.memref_slice %arg3[%add3A_25] : memref<1638400xi32, #tpu.memory_space<hbm>> -> memref<16000xi32, #tpu.memory_space<hbm>>
    %dma_wait3A_91 = arith.constant 3200 : i32
    %dma_wait3A_92 = tpu.memref_slice %arg6[%dma_wait3A_91] : memref<51200xi32, #tpu.memory_space<vmem>> -> memref<16000xi32, #tpu.memory_space<vmem>>
    %dma_wait3A_93 = tpu.memref_slice %arg3[%add3A_25] : memref<1638400xi32, #tpu.memory_space<hbm>> -> memref<16000xi32, #tpu.memory_space<hbm>>
    tpu.wait_dma2 semaphore(%arg9 : memref<!tpu.dma_semaphore, #tpu.memory_space<semaphore_mem>>) src(%dma_wait3A_93 : memref<16000xi32, #tpu.memory_space<hbm>>) dst(%dma_wait3A_92 : memref<16000xi32, #tpu.memory_space<vmem>>)
    %parallel_loop3A_94 = arith.constant 200 : i32
    %parallel_loop3A_95 = arith.constant 1200 : i32
    %parallel_loop3A_96 = arith.constant 1 : i32
    "tpu.trace_stop"() : () -> ()
    "tpu.trace_start"() <{level = 10 : i32, message = "scatter"}> : () -> ()
    scf.for %parallel_loop3A_127 = %parallel_loop3A_94 to %parallel_loop3A_95 step %parallel_loop3A_96  : i32 {
      %parallel_loop3A_128 = arith.constant 16 : i32
      %parallel_loop3A_129 = arith.muli %parallel_loop3A_127, %parallel_loop3A_128 : i32
      %parallel_loop3A_130 = arith.index_cast %parallel_loop3A_129 : i32 to index
      %parallel_loop3A_131 = tpu.vector_load %arg6[%parallel_loop3A_130] {strides = array<i32>} : memref<51200xi32, #tpu.memory_space<vmem>>, vector<16xi32>,
      %parallel_loop3A_132 = arith.constant 16 : i32
      %parallel_loop3A_133 = arith.muli %parallel_loop3A_127, %parallel_loop3A_132 : i32
      %parallel_loop3A_134 = arith.index_cast %parallel_loop3A_133 : i32 to index
      %parallel_loop3A_135 = tpu.vector_load %arg5[%parallel_loop3A_134] {strides = array<i32>} : memref<51200xf32, #tpu.memory_space<vmem>>, vector<16xf32>,
      %parallel_loop3A_136 = arith.constant 0 : i32
      %parallel_loop3A_137 = vector.broadcast %parallel_loop3A_136 : i32 to vector<16xi32>
      %parallel_loop3A_138 = arith.cmpi slt, %min3A_10, %parallel_loop3A_137 : vector<16xi32>
      %parallel_loop3A_139 = arith.constant 16 : i32
      %parallel_loop3A_140 = vector.broadcast %parallel_loop3A_139 : i32 to vector<16xi32>
      %parallel_loop3A_141 = arith.addi %min3A_10, %parallel_loop3A_140 : vector<16xi32>
      %parallel_loop3A_142 = arith.select %parallel_loop3A_138, %parallel_loop3A_141, %min3A_10 : vector<16xi1>, vector<16xi32>
      %parallel_loop3A_143 = vector.shape_cast %parallel_loop3A_142 : vector<16xi32> to vector<16x1xi32>
      %parallel_loop3A_144 = vector.shape_cast %parallel_loop3A_143 : vector<16x1xi32> to vector<16xi32>
      %parallel_loop3A_145 = tpu.dynamic_gather %parallel_loop3A_131[%parallel_loop3A_144] in [0] : vector<16xi32>, vector<16xi32> -> vector<16xi32>
      %parallel_loop3A_146 = arith.constant true
      %parallel_loop3A_147 = vector.broadcast %parallel_loop3A_146 : i1 to vector<16xi1>
      %parallel_loop3A_148 = tpu.scan <sum>, %parallel_loop3A_135 masked %parallel_loop3A_147 : vector<16xf32>, vector<16xi1> -> vector<16xf32>
      %parallel_loop3A_149 = arith.cmpi ne, %parallel_loop3A_131, %parallel_loop3A_145 : vector<16xi32>
      %parallel_loop3A_150 = arith.ori %parallel_loop3A_149, %eq3A_5 : vector<16xi1>
      tpu.vector_store_idx %arg7[%parallel_loop3A_131], %parallel_loop3A_148 masked %parallel_loop3A_150 {add = true} : memref<3200xf32, #tpu.memory_space<vmem>>[vector<16xi32>], vector<16xf32>, vector<16xi1>
      %parallel_loop3A_151 = arith.constant 0.000000e+00 : f32
      %parallel_loop3A_152 = vector.broadcast %parallel_loop3A_151 : f32 to vector<16xf32>
      %parallel_loop3A_153 = arith.subf %parallel_loop3A_152, %parallel_loop3A_148 : vector<16xf32>
      tpu.vector_store_idx %arg7[%parallel_loop3A_145], %parallel_loop3A_153 masked %parallel_loop3A_149 {add = true} : memref<3200xf32, #tpu.memory_space<vmem>>[vector<16xi32>], vector<16xf32>, vector<16xi1>
    } {sc.loop_unroll_factor = 4 : i64, sc.parallel_access}
    "tpu.trace_stop"() : () -> ()
    "tpu.trace_start"() <{level = 10 : i32, message = "dma_wait"}> : () -> ()
    %dma_wait3A_97 = arith.constant 19200 : i32
    %dma_wait3A_98 = tpu.memref_slice %arg5[%dma_wait3A_97] : memref<51200xf32, #tpu.memory_space<vmem>> -> memref<16000xf32, #tpu.memory_space<vmem>>
    %dma_wait3A_99 = tpu.memref_slice %arg2[%add3A_39] : memref<1638400xf32, #tpu.memory_space<hbm>> -> memref<16000xf32, #tpu.memory_space<hbm>>
    %dma_wait3A_100 = arith.constant 19200 : i32
    %dma_wait3A_101 = tpu.memref_slice %arg5[%dma_wait3A_100] : memref<51200xf32, #tpu.memory_space<vmem>> -> memref<16000xf32, #tpu.memory_space<vmem>>
    %dma_wait3A_102 = tpu.memref_slice %arg2[%add3A_39] : memref<1638400xf32, #tpu.memory_space<hbm>> -> memref<16000xf32, #tpu.memory_space<hbm>>
    tpu.wait_dma2 semaphore(%arg10 : memref<!tpu.dma_semaphore, #tpu.memory_space<semaphore_mem>>) src(%dma_wait3A_102 : memref<16000xf32, #tpu.memory_space<hbm>>) dst(%dma_wait3A_101 : memref<16000xf32, #tpu.memory_space<vmem>>)
    %dma_wait3A_103 = arith.constant 19200 : i32
    %dma_wait3A_104 = tpu.memref_slice %arg6[%dma_wait3A_103] : memref<51200xi32, #tpu.memory_space<vmem>> -> memref<16000xi32, #tpu.memory_space<vmem>>
    %dma_wait3A_105 = tpu.memref_slice %arg3[%add3A_39] : memref<1638400xi32, #tpu.memory_space<hbm>> -> memref<16000xi32, #tpu.memory_space<hbm>>
    %dma_wait3A_106 = arith.constant 19200 : i32
    %dma_wait3A_107 = tpu.memref_slice %arg6[%dma_wait3A_106] : memref<51200xi32, #tpu.memory_space<vmem>> -> memref<16000xi32, #tpu.memory_space<vmem>>
    %dma_wait3A_108 = tpu.memref_slice %arg3[%add3A_39] : memref<1638400xi32, #tpu.memory_space<hbm>> -> memref<16000xi32, #tpu.memory_space<hbm>>
    tpu.wait_dma2 semaphore(%arg10 : memref<!tpu.dma_semaphore, #tpu.memory_space<semaphore_mem>>) src(%dma_wait3A_108 : memref<16000xi32, #tpu.memory_space<hbm>>) dst(%dma_wait3A_107 : memref<16000xi32, #tpu.memory_space<vmem>>)
    %parallel_loop3A_109 = arith.constant 1200 : i32
    %parallel_loop3A_110 = arith.constant 2200 : i32
    %parallel_loop3A_111 = arith.constant 1 : i32
    "tpu.trace_stop"() : () -> ()
    "tpu.trace_start"() <{level = 10 : i32, message = "scatter"}> : () -> ()
    scf.for %parallel_loop3A_127 = %parallel_loop3A_109 to %parallel_loop3A_110 step %parallel_loop3A_111  : i32 {
      %parallel_loop3A_128 = arith.constant 16 : i32
      %parallel_loop3A_129 = arith.muli %parallel_loop3A_127, %parallel_loop3A_128 : i32
      %parallel_loop3A_130 = arith.index_cast %parallel_loop3A_129 : i32 to index
      %parallel_loop3A_131 = tpu.vector_load %arg6[%parallel_loop3A_130] {strides = array<i32>} : memref<51200xi32, #tpu.memory_space<vmem>>, vector<16xi32>,
      %parallel_loop3A_132 = arith.constant 16 : i32
      %parallel_loop3A_133 = arith.muli %parallel_loop3A_127, %parallel_loop3A_132 : i32
      %parallel_loop3A_134 = arith.index_cast %parallel_loop3A_133 : i32 to index
      %parallel_loop3A_135 = tpu.vector_load %arg5[%parallel_loop3A_134] {strides = array<i32>} : memref<51200xf32, #tpu.memory_space<vmem>>, vector<16xf32>,
      %parallel_loop3A_136 = arith.constant 0 : i32
      %parallel_loop3A_137 = vector.broadcast %parallel_loop3A_136 : i32 to vector<16xi32>
      %parallel_loop3A_138 = arith.cmpi slt, %min3A_10, %parallel_loop3A_137 : vector<16xi32>
      %parallel_loop3A_139 = arith.constant 16 : i32
      %parallel_loop3A_140 = vector.broadcast %parallel_loop3A_139 : i32 to vector<16xi32>
      %parallel_loop3A_141 = arith.addi %min3A_10, %parallel_loop3A_140 : vector<16xi32>
      %parallel_loop3A_142 = arith.select %parallel_loop3A_138, %parallel_loop3A_141, %min3A_10 : vector<16xi1>, vector<16xi32>
      %parallel_loop3A_143 = vector.shape_cast %parallel_loop3A_142 : vector<16xi32> to vector<16x1xi32>
      %parallel_loop3A_144 = vector.shape_cast %parallel_loop3A_143 : vector<16x1xi32> to vector<16xi32>
      %parallel_loop3A_145 = tpu.dynamic_gather %parallel_loop3A_131[%parallel_loop3A_144] in [0] : vector<16xi32>, vector<16xi32> -> vector<16xi32>
      %parallel_loop3A_146 = arith.constant true
      %parallel_loop3A_147 = vector.broadcast %parallel_loop3A_146 : i1 to vector<16xi1>
      %parallel_loop3A_148 = tpu.scan <sum>, %parallel_loop3A_135 masked %parallel_loop3A_147 : vector<16xf32>, vector<16xi1> -> vector<16xf32>
      %parallel_loop3A_149 = arith.cmpi ne, %parallel_loop3A_131, %parallel_loop3A_145 : vector<16xi32>
      %parallel_loop3A_150 = arith.ori %parallel_loop3A_149, %eq3A_5 : vector<16xi1>
      tpu.vector_store_idx %arg7[%parallel_loop3A_131], %parallel_loop3A_148 masked %parallel_loop3A_150 {add = true} : memref<3200xf32, #tpu.memory_space<vmem>>[vector<16xi32>], vector<16xf32>, vector<16xi1>
      %parallel_loop3A_151 = arith.constant 0.000000e+00 : f32
      %parallel_loop3A_152 = vector.broadcast %parallel_loop3A_151 : f32 to vector<16xf32>
      %parallel_loop3A_153 = arith.subf %parallel_loop3A_152, %parallel_loop3A_148 : vector<16xf32>
      tpu.vector_store_idx %arg7[%parallel_loop3A_145], %parallel_loop3A_153 masked %parallel_loop3A_149 {add = true} : memref<3200xf32, #tpu.memory_space<vmem>>[vector<16xi32>], vector<16xf32>, vector<16xi1>
    } {sc.loop_unroll_factor = 4 : i64, sc.parallel_access}
    "tpu.trace_stop"() : () -> ()
    "tpu.trace_start"() <{level = 10 : i32, message = "dma_wait"}> : () -> ()
    %dma_wait3A_112 = arith.constant 35200 : i32
    %dma_wait3A_113 = tpu.memref_slice %arg5[%dma_wait3A_112] : memref<51200xf32, #tpu.memory_space<vmem>> -> memref<16000xf32, #tpu.memory_space<vmem>>
    %dma_wait3A_114 = tpu.memref_slice %arg2[%add3A_53] : memref<1638400xf32, #tpu.memory_space<hbm>> -> memref<16000xf32, #tpu.memory_space<hbm>>
    %dma_wait3A_115 = arith.constant 35200 : i32
    %dma_wait3A_116 = tpu.memref_slice %arg5[%dma_wait3A_115] : memref<51200xf32, #tpu.memory_space<vmem>> -> memref<16000xf32, #tpu.memory_space<vmem>>
    %dma_wait3A_117 = tpu.memref_slice %arg2[%add3A_53] : memref<1638400xf32, #tpu.memory_space<hbm>> -> memref<16000xf32, #tpu.memory_space<hbm>>
    tpu.wait_dma2 semaphore(%arg11 : memref<!tpu.dma_semaphore, #tpu.memory_space<semaphore_mem>>) src(%dma_wait3A_117 : memref<16000xf32, #tpu.memory_space<hbm>>) dst(%dma_wait3A_116 : memref<16000xf32, #tpu.memory_space<vmem>>)
    %dma_wait3A_118 = arith.constant 35200 : i32
    %dma_wait3A_119 = tpu.memref_slice %arg6[%dma_wait3A_118] : memref<51200xi32, #tpu.memory_space<vmem>> -> memref<16000xi32, #tpu.memory_space<vmem>>
    %dma_wait3A_120 = tpu.memref_slice %arg3[%add3A_53] : memref<1638400xi32, #tpu.memory_space<hbm>> -> memref<16000xi32, #tpu.memory_space<hbm>>
    %dma_wait3A_121 = arith.constant 35200 : i32
    %dma_wait3A_122 = tpu.memref_slice %arg6[%dma_wait3A_121] : memref<51200xi32, #tpu.memory_space<vmem>> -> memref<16000xi32, #tpu.memory_space<vmem>>
    %dma_wait3A_123 = tpu.memref_slice %arg3[%add3A_53] : memref<1638400xi32, #tpu.memory_space<hbm>> -> memref<16000xi32, #tpu.memory_space<hbm>>
    tpu.wait_dma2 semaphore(%arg11 : memref<!tpu.dma_semaphore, #tpu.memory_space<semaphore_mem>>) src(%dma_wait3A_123 : memref<16000xi32, #tpu.memory_space<hbm>>) dst(%dma_wait3A_122 : memref<16000xi32, #tpu.memory_space<vmem>>)
    %parallel_loop3A_124 = arith.constant 2200 : i32
    %parallel_loop3A_125 = arith.constant 3200 : i32
    %parallel_loop3A_126 = arith.constant 1 : i32
    "tpu.trace_stop"() : () -> ()
    "tpu.trace_start"() <{level = 10 : i32, message = "scatter"}> : () -> ()
    scf.for %parallel_loop3A_127 = %parallel_loop3A_124 to %parallel_loop3A_125 step %parallel_loop3A_126  : i32 {
      %parallel_loop3A_128 = arith.constant 16 : i32
      %parallel_loop3A_129 = arith.muli %parallel_loop3A_127, %parallel_loop3A_128 : i32
      %parallel_loop3A_130 = arith.index_cast %parallel_loop3A_129 : i32 to index
      %parallel_loop3A_131 = tpu.vector_load %arg6[%parallel_loop3A_130] {strides = array<i32>} : memref<51200xi32, #tpu.memory_space<vmem>>, vector<16xi32>,
      %parallel_loop3A_132 = arith.constant 16 : i32
      %parallel_loop3A_133 = arith.muli %parallel_loop3A_127, %parallel_loop3A_132 : i32
      %parallel_loop3A_134 = arith.index_cast %parallel_loop3A_133 : i32 to index
      %parallel_loop3A_135 = tpu.vector_load %arg5[%parallel_loop3A_134] {strides = array<i32>} : memref<51200xf32, #tpu.memory_space<vmem>>, vector<16xf32>,
      %parallel_loop3A_136 = arith.constant 0 : i32
      %parallel_loop3A_137 = vector.broadcast %parallel_loop3A_136 : i32 to vector<16xi32>
      %parallel_loop3A_138 = arith.cmpi slt, %min3A_10, %parallel_loop3A_137 : vector<16xi32>
      %parallel_loop3A_139 = arith.constant 16 : i32
      %parallel_loop3A_140 = vector.broadcast %parallel_loop3A_139 : i32 to vector<16xi32>
      %parallel_loop3A_141 = arith.addi %min3A_10, %parallel_loop3A_140 : vector<16xi32>
      %parallel_loop3A_142 = arith.select %parallel_loop3A_138, %parallel_loop3A_141, %min3A_10 : vector<16xi1>, vector<16xi32>
      %parallel_loop3A_143 = vector.shape_cast %parallel_loop3A_142 : vector<16xi32> to vector<16x1xi32>
      %parallel_loop3A_144 = vector.shape_cast %parallel_loop3A_143 : vector<16x1xi32> to vector<16xi32>
      %parallel_loop3A_145 = tpu.dynamic_gather %parallel_loop3A_131[%parallel_loop3A_144] in [0] : vector<16xi32>, vector<16xi32> -> vector<16xi32>
      %parallel_loop3A_146 = arith.constant true
      %parallel_loop3A_147 = vector.broadcast %parallel_loop3A_146 : i1 to vector<16xi1>
      %parallel_loop3A_148 = tpu.scan <sum>, %parallel_loop3A_135 masked %parallel_loop3A_147 : vector<16xf32>, vector<16xi1> -> vector<16xf32>
      %parallel_loop3A_149 = arith.cmpi ne, %parallel_loop3A_131, %parallel_loop3A_145 : vector<16xi32>
      %parallel_loop3A_150 = arith.ori %parallel_loop3A_149, %eq3A_5 : vector<16xi1>
      tpu.vector_store_idx %arg7[%parallel_loop3A_131], %parallel_loop3A_148 masked %parallel_loop3A_150 {add = true} : memref<3200xf32, #tpu.memory_space<vmem>>[vector<16xi32>], vector<16xf32>, vector<16xi1>
      %parallel_loop3A_151 = arith.constant 0.000000e+00 : f32
      %parallel_loop3A_152 = vector.broadcast %parallel_loop3A_151 : f32 to vector<16xf32>
      %parallel_loop3A_153 = arith.subf %parallel_loop3A_152, %parallel_loop3A_148 : vector<16xf32>
      tpu.vector_store_idx %arg7[%parallel_loop3A_145], %parallel_loop3A_153 masked %parallel_loop3A_149 {add = true} : memref<3200xf32, #tpu.memory_space<vmem>>[vector<16xi32>], vector<16xf32>, vector<16xi1>
    } {sc.loop_unroll_factor = 4 : i64, sc.parallel_access}
    "tpu.trace_stop"() : () -> ()
    "tpu.region"() ({
      %run_scoped3A = tpu.sem_alloc : memref<!tpu.dma_semaphore, #tpu.memory_space<semaphore_mem>>
      %dma_start3A_127 = arith.constant 0 : i32
      %dma_start3A_128 = tpu.memref_slice %arg4[%add3A, %dma_start3A_127] : memref<32x3200xf32, #tpu.memory_space<hbm>> -> memref<1x3200xf32, #tpu.memory_space<hbm>>
      %dma_start3A_129 = tpu.memref_squeeze %dma_start3A_128 : memref<1x3200xf32, #tpu.memory_space<hbm>> -> memref<3200xf32, #tpu.memory_space<hbm>>
      %dma_start3A_130 = arith.constant 0 : i32
      %dma_start3A_131 = tpu.memref_slice %arg4[%add3A, %dma_start3A_130] : memref<32x3200xf32, #tpu.memory_space<hbm>> -> memref<1x3200xf32, #tpu.memory_space<hbm>>
      %dma_start3A_132 = tpu.memref_squeeze %dma_start3A_131 : memref<1x3200xf32, #tpu.memory_space<hbm>> -> memref<3200xf32, #tpu.memory_space<hbm>>
      tpu.enqueue_dma source(%arg7 : memref<3200xf32, #tpu.memory_space<vmem>>) target(%dma_start3A_132 : memref<3200xf32, #tpu.memory_space<hbm>>) target_semaphore(%run_scoped3A : memref<!tpu.dma_semaphore, #tpu.memory_space<semaphore_mem>>)
      %dma_wait3A_133 = arith.constant 0 : i32
      %dma_wait3A_134 = tpu.memref_slice %arg4[%add3A, %dma_wait3A_133] : memref<32x3200xf32, #tpu.memory_space<hbm>> -> memref<1x3200xf32, #tpu.memory_space<hbm>>
      %dma_wait3A_135 = tpu.memref_squeeze %dma_wait3A_134 : memref<1x3200xf32, #tpu.memory_space<hbm>> -> memref<3200xf32, #tpu.memory_space<hbm>>
      %dma_wait3A_136 = arith.constant 0 : i32
      %dma_wait3A_137 = tpu.memref_slice %arg4[%add3A, %dma_wait3A_136] : memref<32x3200xf32, #tpu.memory_space<hbm>> -> memref<1x3200xf32, #tpu.memory_space<hbm>>
      %dma_wait3A_138 = tpu.memref_squeeze %dma_wait3A_137 : memref<1x3200xf32, #tpu.memory_space<hbm>> -> memref<3200xf32, #tpu.memory_space<hbm>>
      tpu.wait_dma2 semaphore(%run_scoped3A : memref<!tpu.dma_semaphore, #tpu.memory_space<semaphore_mem>>) src(%arg7 : memref<3200xf32, #tpu.memory_space<vmem>>) dst(%dma_wait3A_138 : memref<3200xf32, #tpu.memory_space<hbm>>)
      tpu.yield
    }) : () -> ()
    return
  }
}

</mosaic_0001>

<sc_bundles>
// kernel: mwer_segment_sum_sc.3.cloned.1.call-start
scs
__scs_entry_jumppad:
0x0: {  	(pc) =	sbr.rel $0x88, $3  }
0x1: {  	(tag) =	ssettag $0x0;
	lr =	simm.s32 $0x1  }
0x2: {  	[smem:$0x3F9F] =	sst lr;
	_ =	strace $0xD0000000  }
0x3: {  	_ = 	snop  }
0x4: {  	_ = 	snop  }
0x5: {  	_ = 	snop  }
0x6: {  	_ = 	snop  }
0x7: {  	_ = 	snop  }
__scs_overlays_trampoline_lowered:
0x8: {  	[smem:$0x3FAE] =	sst s0  }
0x9: {  	[smem:$0x3FAF] =	sst s1  }
0xa: {  	[smem:$0x3FB0] =	sst s2  }
0xb: {  	[smem:$0x3FB1] =	sst s3  }
0xc: {  	[smem:$0x3FB2] =	sst s4  }
0xd: {  	[smem:$0x3FB3] =	sst s5  }
0xe: {  	[smem:$0x3FB4] =	sst s6  }
0xf: {  	[smem:$0x3FB5] =	sst s7  }
0x10: {  	[smem:$0x3FB6] =	sst s8  }
0x11: {  	[smem:$0x3FB7] =	sst s9;
	s0 =	simm.s32 @!p0 $0x0  }
0x12: {  	s1 =	sld [smem:$0x3F9D];
	s0 =	simm.s32 @p0 $0x1  }
0x13: {  	[smem:$0x3FB8] =	sst s0;
	s0 =	simm.s32 @!p1 $0x0  }
0x14: {  	s2 =	sld [smem:$0x3F9C];
	s0 =	simm.s32 @p1 $0x1  }
0x15: {  	[smem:$0x3FB9] =	sst s0;
	s0 =	simm.s32 @!p2 $0x0  }
0x16: {  	s3 =	sld [smem:$0x3FDB];
	s0 =	simm.s32 @p2 $0x1  }
0x17: {  	s4 =	simm.s32 $0x1BF5;
	[smem:$0x3FBB] =	sst s0  }
0x18: {  	s0 =	sld [smem:$0x3F9E];
	_ =	swait.ge [sflag:s4], $0x0  }
0x19: {  	s7 =	sld [smem:$0x3F9F]  }
0x1a: {  	s8 =	sadd.s32 $0xFFFFE003, lr  }
0x1b: {  	s9 =	sadd.s32 $0xFFFFFEF7, lr;
	s5 =	simm.s32 $0xFFFFFFFF;
	p2 =	slt.u32 s8, $0xFFFFF086  }
0x1c: {  	p1 =	slt.u32 s9, $0xF7A;
	s5 =	simm.s32 @!p2 $0x0  }
0x1d: {  	s5 =	simm.s32 @p1 $0x1;
	p0 =	seq.s32 s7, s2  }
0x1e: {  	s7 =	smul.u32 @!p0 $0xF7A, s2;
	p2 =	seq.s32 @!p0 s5, $0x0  }
0x1f: {  	s9 =	smul.u32 $0xF7A, s1;
	s8 =	simm.s32 @!p0 $0x1BF5;
	p2 =	por !p2, p0  }
0x20: {  	[sflag:s8] =	ssyncset.s32 @!p0 $0xFFFFF086;
	s6 =	sadd.s32 @!p0 s3, s7;
	s7 =	simm.s32 @!p0 $0x108  }
0x21: {  	s3 =	sadd.s32 s3, s9;
	s6 =	sadd.s32 @!p0 $0x88, s6;
	s7 =	simm.s32 @p2 $0x1082  }
0x22: {  	[simem:s7], [sflag:s8] =	dma.local @!p0 [hbm:s6], $0xF7A  }
0x23: {  	s9 =	sor.u32 $0xD0000000, s2;
	s6 =	simm.s32 $0x108;
	_ =	swait.ge @!p0 [sflag:s8], $0x0  }
0x24: {  	s3 =	sadd.s32 $0x88, s3;
	s6 =	simm.s32 @!p1 $0x1082;
	[sflag:s4] =	ssyncset.s32 $0xFFFFF086  }
0x25: {  	[simem:s6], [sflag:s4] =	dma.local [hbm:s3], $0xF7A  }
0x26: {  	[smem:$0x3F9F] =	sst s1;
	(tag) =	ssettag s2;
	_ =	strace s9  }
0x27: {  	s1 =	sld [smem:$0x3FAF]  }
0x28: {  	s2 =	sld [smem:$0x3FB0]  }
0x29: {  	s4 =	sld [smem:$0x3FB2]  }
0x2a: {  	p0 =	seq.s32 s5, $0x0;
	s5 =	sld [smem:$0x3FB3]  }
0x2b: {  	s6 =	sld [smem:$0x3FB4]  }
0x2c: {  	s7 =	sld [smem:$0x3FB5]  }
0x2d: {  	s3 =	simm.s32 $0x108;
	s8 =	sld [smem:$0x3FB6]  }
0x2e: {  	s3 =	simm.s32 @!p0 $0x1082;
	s9 =	sld [smem:$0x3FB7]  }
0x2f: {  	lr =	sadd.s32 s0, s3;
	s0 =	sld [smem:$0x3FAE]  }
0x30: {  	s3 =	sld [smem:$0x3FB1]  }
0x31: {  	[smem:$0x3FBA] =	sst s10  }
0x32: {  	s10 =	sld [smem:$0x3FB8];
	_ =	sdelay $0x3  }
0x33: {  	p0 =	seq.s32 s10, $0x1;
	s10 =	sld [smem:$0x3FBA];
	_ =	sdelay $0x3  }
0x34: {  	[smem:$0x3FBA] =	sst s10  }
0x35: {  	s10 =	sld [smem:$0x3FB9];
	_ =	sdelay $0x3  }
0x36: {  	p1 =	seq.s32 s10, $0x1;
	s10 =	sld [smem:$0x3FBA];
	_ =	sdelay $0x3  }
0x37: {  	[smem:$0x3FBA] =	sst s10  }
0x38: {  	s10 =	sld [smem:$0x3FBB]  }
0x39: {  	_ = 	snop;
	(pc) =	sbr.ind lr, $3  }
0x3a: {  	_ = 	snop  }
0x3b: {  	_ = 	snop  }
0x3c: {  	p2 =	seq.s32 s10, $0x1;
	s10 =	sld [smem:$0x3FBA]  }
0x3d: {  	_ =	shalt  }
0x3e: {  	_ =	shalt  }
0x3f: {  	_ =	shalt  }
0x40: {  	_ =	shalt  }
0x41: {  	_ =	shalt  }
0x42: {  	_ =	shalt  }
0x43: {  	_ =	shalt  }
0x44: {  	_ =	shalt  }
0x45: {  	_ =	shalt  }
0x46: {  	_ =	shalt  }
0x47: {  	_ =	shalt  }
0x48: {  	_ =	shalt  }
0x49: {  	_ =	shalt  }
0x4a: {  	_ =	shalt  }
0x4b: {  	_ =	shalt  }
0x4c: {  	_ =	shalt  }
0x4d: {  	_ =	shalt  }
0x4e: {  	_ =	shalt  }
0x4f: {  	_ =	shalt  }
0x50: {  	_ =	shalt  }
0x51: {  	_ =	shalt  }
0x52: {  	_ =	shalt  }
0x53: {  	_ =	shalt  }
0x54: {  	_ =	shalt  }
0x55: {  	_ =	shalt  }
0x56: {  	_ =	shalt  }
0x57: {  	_ =	shalt  }
0x58: {  	_ =	shalt  }
0x59: {  	_ =	shalt  }
0x5a: {  	_ =	shalt  }
0x5b: {  	_ =	shalt  }
0x5c: {  	_ =	shalt  }
0x5d: {  	_ =	shalt  }
0x5e: {  	_ =	shalt  }
0x5f: {  	_ =	shalt  }
0x60: {  	_ =	shalt  }
0x61: {  	_ =	shalt  }
0x62: {  	_ =	shalt  }
0x63: {  	_ =	shalt  }
0x64: {  	_ =	shalt  }
0x65: {  	_ =	shalt  }
0x66: {  	_ =	shalt  }
0x67: {  	_ =	shalt  }
0x68: {  	_ =	shalt  }
0x69: {  	_ =	shalt  }
0x6a: {  	_ =	shalt  }
0x6b: {  	_ =	shalt  }
0x6c: {  	_ =	shalt  }
0x6d: {  	_ =	shalt  }
0x6e: {  	_ =	shalt  }
0x6f: {  	_ =	shalt  }
0x70: {  	_ =	shalt  }
0x71: {  	_ =	shalt  }
0x72: {  	_ =	shalt  }
0x73: {  	_ =	shalt  }
0x74: {  	_ =	shalt  }
0x75: {  	_ =	shalt  }
0x76: {  	_ =	shalt  }
0x77: {  	_ =	shalt  }
0x78: {  	_ =	shalt  }
0x79: {  	_ =	shalt  }
0x7a: {  	_ =	shalt  }
0x7b: {  	_ =	shalt  }
0x7c: {  	_ =	shalt  }
0x7d: {  	_ =	shalt  }
0x7e: {  	_ =	shalt  }
0x7f: {  	_ =	shalt  }
0x80: {  	_ =	shalt  }
0x81: {  	_ =	shalt  }
0x82: {  	_ =	shalt  }
0x83: {  	_ =	shalt  }
0x84: {  	_ =	shalt  }
0x85: {  	_ =	shalt  }
0x86: {  	_ =	shalt  }
0x87: {  	_ =	shalt  }
.Lfunc_end0:
.L_simem_size_0:
called_computation_lowered:
.L_overlay_start_0:
0x88: {  	s2 =	sld [smem:$0x3FD9]  }
0x89: {  	s3 =	sld [smem:$0x3FFE];
	_ =	sdelay $0x1  }
0x8a: {  	s1 =	srdreg.scid  }
0x8b: {  	s0 =	sand.u32 $0x1, s1  }
0x8c: {  	s18 =	sshll.u32 s0, $0xA;
	s2 =	sadd.s32 s3, s2  }
0x8d: {  	s2 =	sadd.s32 s2, s18  }
0x8e: {  	[smem:$0x3FC6] =	sst s2  }
0x8f: {  	_ = 	snop  }
0x90: {  	s2 =	sld [smem:$0x3FC9]  }
0x91: {  	s19 =	sld [smem:$0x3FC8]  }
0x92: {  	s4 =	sld [smem:$0x3FD0];
	(tm) =	ssettm $0x1  }
0x93: {  	s5 =	sld [smem:$0x3FFB];
	_ =	sdelay $0x3  }
0x94: {  	_ =	strace s5  }
0x95: {  	s5 =	sld [smem:$0x3FFC];
	_ =	sdelay $0x3  }
0x96: {  	_ =	strace s5  }
0x97: {  	s5 =	sld [smem:$0x3FFD];
	_ =	sdelay $0x3  }
0x98: {  	_ =	strace s5  }
0x99: {  	_ =	strace $0x8FFFFFFF  }
0x9a: {  	s20 =	sld [smem:$0x3FDB];
	_ =	sdelay $0x1  }
0x9b: {  	s6 =	simm.s32 $_scs_section_size  }
0x9c: {  	s7 =	simm.s32 $_size__tile_overlayer_lowered;
	s8 =	simm.s32 $_tile_overlayer_lowered  }
0x9d: {  	s23 =	simm.s32 $0x1BFF;
	s22 =	sshll.u32 s8, $0x1;
	s5 =	sadd.s32 s6, s20  }
0x9e: {  	s9 =	simm.s32 $0x0;
	s21 =	sshll.u32 s7, $0x1;
	s7 =	sadd.s32 s22, s5  }
0x9f: {  	[timem:s9], [sflag:s23] =	dma.local [hbm:s7], s21  }
0xa0: {  	_ =	swait.ge [sflag:s23], s21  }
0xa1: {  	s6 =	ssub.s32 $0x0, s21;
	[sflag:s23] =	ssyncset.done $0x0  }
0xa2: {  	[sflag:s23] =	ssyncadd.s32 s6;
	_ =	sdelay $0x1  }
0xa3: {  	s24 =	simm.s32 $0x1B8B  }
0xa4: {  	_ =	swait.ge [sflag:s24], $0x1  }
0xa5: {  	[sflag:s24] =	ssyncset.done $0x0  }
0xa6: {  	s25 =	simm.s32 $0x1B8E;
	[sflag:s24] =	ssyncadd.s32 $0xFFFFFFFF  }
0xa7: {  	s26 =	simm.s32 $execute0_lowered;
	[smem:$0x3FD2] =	sst s25  }
0xa8: {  	s6 =	sshll.u32 s26, $0x1;
	_ =	strace $0x80000046;
	[dreg:$0x1] =	wrdreg $0xFFFFFFFF  }
0xa9: {  	s28 =	simm.s32 $_size_execute0_lowered;
	s5 =	sadd.s32 s5, s6;
	[dreg:$0x0] =	wrdreg $0x0  }
0xaa: {  	s6 =	sshll.u32 s28, $0x1;
	[dreg:$0x2] =	wrdreg s5  }
0xab: {  	[dreg:$0x3] =	wrdreg s6  }
0xac: {  	[dreg:$0x4] =	wrdreg $0xC0  }
0xad: {  	_ =	task [dreg:s9], $0x5FFFF  }
0xae: {  	[dreg:$0x1] =	wrdreg $0xFFFFFFFF  }
0xaf: {  	[dreg:$0x0] =	wrdreg $0x60  }
0xb0: {  	[dreg:$0x2] =	wrdreg s2  }
0xb1: {  	[dreg:$0x3] =	wrdreg s19  }
0xb2: {  	[dreg:$0x4] =	wrdreg s4  }
0xb3: {  	[dreg:$0x5] =	wrdreg $0x9  }
0xb4: {  	_ =	task.clear_ibuf [dreg:s9], $0x6FFFF;
	_ =	strace $0x90000046  }
0xb5: {  	s29 =	simm.s32 $0x9;
	_ =	strace $0x80000051  }
0xb6: {  	_ =	swait.ge [sflag:s29], $0x1  }
0xb7: {  	[sflag:s29] =	ssyncadd.s32 $0xFFFFFFFF  }
0xb8: {  	_ =	strace $0x90000051  }
0xb9: {  	_ =	sfence  }
0xba: {  	s30 =	sld [smem:$0x0];
	_ =	sdelay $0x2  }
0xbb: {  	s31 =	sshll.u32 s1, $0xD;
	s1 =	sshrl.u32 s1, $0x2  }
0xbc: {  	s3 =	sand.u32 $0x4000, s31;
	s1 =	sadd.s32 s1, s30  }
0xbd: {  	s0 =	sor.u32 s3, s0;
	s1 =	sshll.u32 s1, $0x11  }
0xbe: {  	s0 =	sor.u32 s1, s0  }
0xbf: {  	s0 =	sadd.s32 $0x8F2B, s0  }
0xc0: {  	[sflag:s0] =	ssyncadd.remote.s32 $0x1  }
0xc1: {  	_ =	sfence.sel $0xFFFF  }
0xc2: {  	[dreg:$0x0] =	wrdreg $0xFFFFFFFF;
	(pc) =	sbr.abs _section_cstart, $3  }
0xc3: {  	[dreg:$0x1] =	wrdreg $0xFFFFFFFF  }
0xc4: {  	_ =	task.clear_ibuf [dreg:s9], $0x2FFFF;
	_ =	strace $0x9FFFFFFF  }
0xc5: {  	(tm) =	ssettm $0x7FFFFFFF  }
tec
execute0_lowered:
.L_overlay_start_1:
0x0: {  	(tag) =	ssettag $0x1  }
0x1: {  	s1 =	rddreg [dreg:$0x0]  }
0x2: {  	s2 =	srdreg.scid;
	s10 =	rddreg [dreg:$0x1]  }
0x3: {  	s0 =	stileid.u32;
	s11 =	rddreg [dreg:$0x2];
	s16 =	simm.s32 $0x4B00  }
0x4: {  	s17 =	simm.s32 $0x11300;
	s18 =	simm.s32 $0x8980;
	s19 =	simm.s32 $0x15180  }
0x5: {  	s20 =	simm.s32 $0x1;
	s21 =	simm.s32 $0x19000;
	s22 =	simm.s32 $0x2  }
0x6: {  	s23 =	simm.s32 $0x3;
	s24 =	simm.s32 $0x4;
	s28 =	simm.s32 $0x5  }
0x7: {  	s29 =	simm.s32 $0x0;
	s3 =	sand.u32 $0x1, s2;
	s25 =	sshll.u32 s0, $0x1  }
0x8: {  	s2 =	simm.s32 $0x0;
	s8 =	sshrl.u32 s0, $0x2;
	s6 =	sor.u32 s3, s25  }
0x9: {  	[smem:$0x7FF] =	sst s2;
	s3 =	ssub.s32 $0x2, s3;
	s14 =	smul.u32 $0x6400, s8  }
0xa: {  	s25 =	simm.s32 $0x80;
	s4 =	smul.u32 $0xC800, s6;
	s5 =	sshrl.u32 s3, $0x1  }
0xb: {  	v0 =	vimm.s32 $0xFFEDCBA9;
	v1 =	vimm.s32 $0x87654321;
	_ =	strace $0x80000047;
	s26 =	sshll.u32 s6, $0x7;
	s12 =	ssub.s32 s3, s5  }
0xc: {  	v0 =	vunpack.c.l.s4.s8 v0;
	v1 =	vunpack.c.l.s4.s8 v1;
	s15 =	sand.u32 $0x380, s26;
	s26 =	simm.s32 $0x400;
	s9 =	sshrl.u32 s4, $0x3  }
0xd: {  	s14 =	sor.u32 s14, s15;
	s12 =	smax.u32 s12, $0x1;
	s15 =	simm.s32 $0xD480  }
0xe: {  	v0 =	vunpack.c.0.s8.s32 v0;
	v1 =	vunpack.c.0.s8.s32 v1;
	s3 =	sadd.s32 s1, s9;
	s7 =	sadd.s32 $0x190, s9;
	s4 =	sadd.s32 s10, s9  }
0xf: {  	s13 =	sadd.s32 $0x960, s9;
	s30 =	sadd.s32 $0x1130, s9;
	s31 =	sshrl.u32 s14, $0x3  }
0x10: {  	v1 =	vcombine.low v1, v0;
	s14 =	simm.s32 $0xC80;
	s5 =	sadd.s32 s1, s7;
	s6 =	sadd.s32 s10, s7  }
0x11: {  	s7 =	sadd.s32 s1, s13;
	s8 =	sadd.s32 s10, s13;
	s9 =	sadd.s32 s1, s30  }
0x12: {  	vm0 =	vcmask $0x3F3C;
	v0 =	vimm.f32 $0.0e+00;
	s10 =	sadd.s32 s10, s30;
	s11 =	sadd.s32 s11, s31;
	s13 =	simm.s32 $0xC800;
	v1 =	vand.u32 $0xF, v1  }
.LBB2_1:
0x13: {  	[tilespmem:s2], [sflag:$0x1] =	stream.linear.gather [hbm4b:s3+s2], $0xC80, $0x38;
	[tilespmem:$0x19C80] =	vst v63  }
0x14: {  	_ = 	snop  }
0x15: {  	[tilespmem:s13], [sflag:$0x1] =	stream.linear.gather [hbm4b:s4+s2], $0xC80, $0x38;
	[tilespmem:$0x19C80] =	vst v63  }
0x16: {  	_ = 	snop  }
0x17: {  	[tilespmem:s14], [sflag:$0x2] =	stream.linear.gather [hbm4b:s5+s2], $0x3E80, $0x38;
	[tilespmem:$0x19C80] =	vst v63  }
0x18: {  	_ = 	snop  }
0x19: {  	[tilespmem:s15], [sflag:$0x2] =	stream.linear.gather [hbm4b:s6+s2], $0x3E80, $0x38;
	[tilespmem:$0x19C80] =	vst v63  }
0x1a: {  	_ = 	snop  }
0x1b: {  	[tilespmem:s16], [sflag:$0x3] =	stream.linear.gather [hbm4b:s7+s2], $0x3E80, $0x38;
	[tilespmem:$0x19C80] =	vst v63  }
0x1c: {  	_ = 	snop  }
0x1d: {  	[tilespmem:s17], [sflag:$0x3] =	stream.linear.gather [hbm4b:s8+s2], $0x3E80, $0x38;
	[tilespmem:$0x19C80] =	vst v63  }
0x1e: {  	_ = 	snop  }
0x1f: {  	[tilespmem:s18], [sflag:$0x4] =	stream.linear.gather [hbm4b:s9+s2], $0x3E80, $0x38;
	[tilespmem:$0x19C80] =	vst v63  }
0x20: {  	s1 =	simm.s32 $0x19020  }
0x21: {  	[tilespmem:s19], [sflag:$0x4] =	stream.linear.gather [hbm4b:s10+s2], $0x3E80, $0x38;
	[tilespmem:$0x19C80] =	vst v63  }
0x22: {  	_ =	strace $0x80000048;
	[tilespmem:s1+$0xFFFFFFE0] =	vst v0  }
0x23: {  	[tilespmem:s1+$0x10] =	vst v0  }
0x24: {  	s30 =	simm.s32 $0x0;
	[tilespmem:s1+$0x0] =	vst v0  }
.LBB2_2:
0x25: {  	s30 =	sadd.s32 $0x4, s30  }
0x26: {  	[tilespmem:s1+$0xFFFFFFF0] =	vst v0;
	s1 =	sadd.s32 $0x40, s1;
	p0 =	slt.u32 s30, $0xC4  }
.Ltmp0:
0x27: {  	[tilespmem:s1+$0xFFFFFFE0] =	vst v0;
	(pc) =	sbr.rel @p0 .LBB2_2-.Ltmp0, $3  }
0x28: {  	_ =	sdelay $0x1  }
0x29: {  	[tilespmem:s1+$0x10] =	vst v0  }
0x2a: {  	[tilespmem:s1+$0x0] =	vst v0  }
0x2b: {  	[tilespmem:s1+$0xFFFFFFF0] =	vst v0  }
0x2c: {  	_ =	strace $0x90000048  }
0x2d: {  	_ =	strace $0x80000049  }
0x2e: {  	_ =	swait.ge [sflag:s20], $0xC80  }
0x2f: {  	[sflag:s20] =	ssyncset.done $0x0  }
0x30: {  	[sflag:s20] =	ssyncadd.s32 $0xFFFFF380  }
0x31: {  	_ =	swait.ge [sflag:s20], $0xC80  }
0x32: {  	[sflag:s20] =	ssyncset.done $0x0  }
0x33: {  	[sflag:s20] =	ssyncadd.s32 $0xFFFFF380  }
0x34: {  	_ =	strace $0x90000049  }
0x35: {  	s1 =	simm.s32 $0x20;
	_ =	strace $0x8000004A  }
0x36: {  	v2 =	vld [tilespmem:s1+$0xFFFFFFE0]  }
0x37: {  	v3 =	vld [tilespmem:s1+$0x10]  }
0x38: {  	s30 =	simm.s32 $0xC820  }
0x39: {  	v4 =	vld [tilespmem:s30+$0x10];
	_ =	sdelay $0x1  }
0x3a: {  	v11 =	vld [tilespmem:s30+$0xFFFFFFE0];
	(xrf2) =	vadd.scan.msk.f32 $0xffff, v2  }
0x3b: {  	v2 =	vld [tilespmem:s1+$0x0];
	(xrf2) =	vadd.scan.msk.f32 $0xffff, v3;
	_ =	sdelay $0x1  }
0x3c: {  	v8 =	vld [tilespmem:s30+$0x0];
	v9 =	vperm.xlane v4, v1;
	_ =	sdelay $0x1  }
0x3d: {  	vm3 =	vne.s32 v4, v9  }
0x3e: {  	v5 =	vld [tilespmem:s1+$0xFFFFFFF0];
	v7 =	vperm.xlane v11, v1;
	vm2 =	vmor vm3, vm0;
	(xrf2) =	vadd.scan.msk.f32 $0xffff, v2;
	_ =	sdelay $0x1  }
0x3f: {  	s31 =	simm.s32 $0x60;
	v13 =	vld [tilespmem:s30+$0xFFFFFFF0];
	v12 =	vperm.xlane v8, v1;
	vm1 =	vne.s32 v11, v7  }
0x40: {  	v14 =	vld [tilespmem:s31+$0xFFFFFFE0];
	vm6 =	vmor vm1, vm0  }
0x41: {  	s30 =	simm.s32 $0xC860;
	v16 =	vld [tilespmem:s31+$0x10];
	vm4 =	vne.s32 v8, v12;
	v15, _, _ =	vpop (xrf2)  }
0x42: {  	v3 =	vld [tilespmem:s30+$0xFFFFFFE0];
	vm5 =	vmor vm4, vm0;
	(xrf2) =	vadd.scan.msk.f32 $0xffff, v5;
	v10, _, _ =	vpop (xrf2)  }
0x43: {  	[tilespmem:v4+s21+$0x0] =	vst.idx.add.f32.msk vm2, v10;
	v10 =	vsub.f32 $0.0e+00, v10  }
0x44: {  	v6 =	vperm.xlane v13, v1;
	v2 =	vld [tilespmem:s30+$0xFFFFFFF0]  }
0x45: {  	v5 =	vld [tilespmem:s30+$0x10]  }
0x46: {  	[tilespmem:v11+s21+$0x0] =	vst.idx.add.f32.msk vm6, v15;
	vm2 =	vne.s32 v13, v6  }
0x47: {  	(xrf2) =	vadd.scan.msk.f32 $0xffff, v14;
	vm7 =	vmor vm2, vm0;
	[tilespmem:v9+s21+$0x0] =	vst.idx.add.f32.msk vm3, v10;
	v10, _, _ =	vpop (xrf2)  }
0x48: {  	[tilespmem:v8+s21+$0x0] =	vst.idx.add.f32.msk vm5, v10  }
0x49: {  	v17 =	vsub.f32 $0.0e+00, v10;
	v10 =	vld [tilespmem:s31+$0x0]  }
0x4a: {  	v4 =	vld [tilespmem:s30+$0x0];
	(xrf2) =	vadd.scan.msk.f32 $0xffff, v16  }
0x4b: {  	v9 =	vld [tilespmem:s31+$0xFFFFFFF0]  }
0x4c: {  	v14, _, _ =	vpop (xrf2);
	v8 =	vperm.xlane v5, v1;
	[tilespmem:v12+s21+$0x0] =	vst.idx.add.f32.msk vm4, v17;
	v12 =	vsub.f32 $0.0e+00, v15  }
0x4d: {  	s1 =	simm.s32 $0x4;
	v11 =	vsub.f32 $0.0e+00, v14;
	[tilespmem:v13+s21+$0x0] =	vst.idx.add.f32.msk vm7, v14  }
.LBB2_4:
0x4e: {  	s1 =	sadd.s32 $0x4, s1;
	vm3 =	vne.s32 v5, v8;
	(xrf2) =	vadd.scan.msk.f32 $0xffff, v10;
	[tilespmem:v7+s21+$0x0] =	vst.idx.add.f32.msk vm1, v12  }
0x4f: {  	s30 =	sadd.s32 $0x40, s30;
	p0 =	slt.u32 s1, $0xC4;
	vm4 =	vmor vm3, vm0;
	[tilespmem:v6+s21+$0x0] =	vst.idx.add.f32.msk vm2, v11  }
0x50: {  	v13 =	vld [tilespmem:s30+$0xFFFFFFE0]  }
0x51: {  	s31 =	sadd.s32 $0x40, s31;
	v11 =	vperm.xlane v4, v1;
	v14 =	vld [tilespmem:s30+$0xFFFFFFF0];
	v12, _, _ =	vpop (xrf2);
	(xrf2) =	vadd.scan.msk.f32 $0xffff, v9  }
0x52: {  	v9 =	vld [tilespmem:s31+$0xFFFFFFE0]  }
0x53: {  	v7 =	vperm.xlane v3, v1;
	vm5 =	vne.s32 v4, v11;
	v10 =	vld [tilespmem:s30+$0x10]  }
0x54: {  	v6 =	vperm.xlane v2, v1;
	vm6 =	vmor vm5, vm0;
	v15 =	vld [tilespmem:s31+$0x10];
	v16, _, _ =	vpop (xrf2)  }
0x55: {  	vm1 =	vne.s32 v3, v7;
	[tilespmem:v5+s21+$0x0] =	vst.idx.add.f32.msk vm4, v16;
	v17 =	vsub.f32 $0.0e+00, v16  }
0x56: {  	vm2 =	vne.s32 v2, v6;
	vm4 =	vmor vm1, vm0;
	v16 =	vld [tilespmem:s30+$0x0]  }
0x57: {  	vm7 =	vmor vm2, vm0;
	(xrf2) =	vadd.scan.msk.f32 $0xffff, v9;
	[tilespmem:v8+s21+$0x0] =	vst.idx.add.f32.msk vm3, v17  }
0x58: {  	v9 =	vld [tilespmem:s31+$0xFFFFFFF0];
	v8, _, _ =	vpop (xrf2);
	v5 =	vmov v10  }
.Ltmp1:
0x59: {  	v10 =	vld [tilespmem:s31+$0x0];
	v17 =	vsub.f32 $0.0e+00, v8;
	(pc) =	sbr.rel @p0 .LBB2_4-.Ltmp1, $4  }
0x5a: {  	(xrf2) =	vadd.scan.msk.f32 $0xffff, v15;
	[tilespmem:v4+s21+$0x0] =	vst.idx.add.f32.msk vm6, v8  }
0x5b: {  	[tilespmem:v11+s21+$0x0] =	vst.idx.add.f32.msk vm5, v17;
	v15, _, _ =	vpop (xrf2);
	v4 =	vmov v16  }
0x5c: {  	v8 =	vperm.xlane v5, v1;
	[tilespmem:v3+s21+$0x0] =	vst.idx.add.f32.msk vm4, v12;
	v12 =	vsub.f32 $0.0e+00, v12;
	v11 =	vsub.f32 $0.0e+00, v15;
	v3 =	vmovc v13  }
0x5d: {  	[tilespmem:v2+s21+$0x0] =	vst.idx.add.f32.msk vm7, v15;
	v2 =	vmov v14  }
0x5e: {  	_ = 	snop  }
0x5f: {  	(xrf2) =	vadd.scan.msk.f32 $0xffff, v10  }
0x60: {  	vm3 =	vne.s32 v5, v8;
	(xrf2) =	vadd.scan.msk.f32 $0xffff, v9;
	v9 =	vperm.xlane v3, v1  }
0x61: {  	v10 =	vperm.xlane v4, v1;
	vm4 =	vmor vm3, vm0  }
0x62: {  	v13 =	vperm.xlane v2, v1;
	vm7 =	vne.s32 v3, v9  }
0x63: {  	[tilespmem:v7+s21+$0x0] =	vst.idx.add.f32.msk vm1, v12;
	vm5 =	vne.s32 v4, v10;
	vm1 =	vmor vm7, vm0  }
0x64: {  	vm8 =	vne.s32 v2, v13;
	vm6 =	vmor vm5, vm0;
	v14, _, _ =	vpop (xrf2)  }
0x65: {  	[tilespmem:v6+s21+$0x0] =	vst.idx.add.f32.msk vm2, v11;
	vm2 =	vmor vm8, vm0;
	v7, _, _ =	vpop (xrf2)  }
0x66: {  	v6 =	vsub.f32 $0.0e+00, v7  }
0x67: {  	[tilespmem:v5+s21+$0x0] =	vst.idx.add.f32.msk vm4, v7  }
0x68: {  	[tilespmem:v8+s21+$0x0] =	vst.idx.add.f32.msk vm3, v6  }
0x69: {  	v5, _, _ =	vpop (xrf2);
	[tilespmem:v3+s21+$0x0] =	vst.idx.add.f32.msk vm1, v14  }
0x6a: {  	v3 =	vsub.f32 $0.0e+00, v14;
	[tilespmem:v4+s21+$0x0] =	vst.idx.add.f32.msk vm6, v5;
	v4, _, _ =	vpop (xrf2)  }
0x6b: {  	v6 =	vsub.f32 $0.0e+00, v5;
	[tilespmem:v2+s21+$0x0] =	vst.idx.add.f32.msk vm2, v4  }
0x6c: {  	v5 =	vsub.f32 $0.0e+00, v4;
	[tilespmem:v9+s21+$0x0] =	vst.idx.add.f32.msk vm7, v3  }
0x6d: {  	[tilespmem:v10+s21+$0x0] =	vst.idx.add.f32.msk vm5, v6  }
0x6e: {  	[tilespmem:v13+s21+$0x0] =	vst.idx.add.f32.msk vm8, v5  }
0x6f: {  	_ =	strace $0x9000004A  }
0x70: {  	_ =	strace $0x8000004B  }
0x71: {  	_ =	swait.ge [sflag:s22], $0x3E80  }
0x72: {  	[sflag:s22] =	ssyncset.done $0x0  }
0x73: {  	[sflag:s22] =	ssyncadd.s32 $0xFFFFC180  }
0x74: {  	_ =	swait.ge [sflag:s22], $0x3E80  }
0x75: {  	[sflag:s22] =	ssyncset.done $0x0  }
0x76: {  	[sflag:s22] =	ssyncadd.s32 $0xFFFFC180  }
0x77: {  	_ =	strace $0x9000004B  }
0x78: {  	s1 =	simm.s32 $0xCB0;
	_ =	strace $0x8000004C  }
0x79: {  	v2 =	vld [tilespmem:s1+$0xFFFFFFD0]  }
0x7a: {  	v3 =	vld [tilespmem:s1+$0x0]  }
0x7b: {  	s30 =	simm.s32 $0xD4B0  }
0x7c: {  	v4 =	vld [tilespmem:s30+$0x0];
	_ =	sdelay $0x1  }
0x7d: {  	v11 =	vld [tilespmem:s30+$0xFFFFFFD0];
	(xrf2) =	vadd.scan.msk.f32 $0xffff, v2  }
0x7e: {  	v2 =	vld [tilespmem:s1+$0xFFFFFFF0];
	(xrf2) =	vadd.scan.msk.f32 $0xffff, v3;
	_ =	sdelay $0x1  }
0x7f: {  	v8 =	vld [tilespmem:s30+$0xFFFFFFF0];
	v9 =	vperm.xlane v4, v1;
	_ =	sdelay $0x1  }
0x80: {  	vm3 =	vne.s32 v4, v9  }
0x81: {  	v5 =	vld [tilespmem:s1+$0xFFFFFFE0];
	v7 =	vperm.xlane v11, v1;
	vm2 =	vmor vm3, vm0;
	(xrf2) =	vadd.scan.msk.f32 $0xffff, v2;
	_ =	sdelay $0x1  }
0x82: {  	s31 =	simm.s32 $0xCF0;
	v13 =	vld [tilespmem:s30+$0xFFFFFFE0];
	v12 =	vperm.xlane v8, v1;
	vm1 =	vne.s32 v11, v7  }
0x83: {  	v14 =	vld [tilespmem:s31+$0xFFFFFFD0];
	vm14 =	vmor vm1, vm0  }
0x84: {  	s30 =	simm.s32 $0xD4F0;
	v16 =	vld [tilespmem:s31+$0x0];
	vm12 =	vne.s32 v8, v12;
	v15, _, _ =	vpop (xrf2)  }
0x85: {  	v3 =	vld [tilespmem:s30+$0xFFFFFFD0];
	vm13 =	vmor vm12, vm0;
	(xrf2) =	vadd.scan.msk.f32 $0xffff, v5;
	v10, _, _ =	vpop (xrf2)  }
0x86: {  	[tilespmem:v4+s21+$0x0] =	vst.idx.add.f32.msk vm2, v10;
	v10 =	vsub.f32 $0.0e+00, v10  }
0x87: {  	v6 =	vperm.xlane v13, v1;
	v2 =	vld [tilespmem:s30+$0xFFFFFFE0]  }
0x88: {  	v5 =	vld [tilespmem:s30+$0x0]  }
0x89: {  	[tilespmem:v11+s21+$0x0] =	vst.idx.add.f32.msk vm14, v15;
	vm2 =	vne.s32 v13, v6  }
0x8a: {  	(xrf2) =	vadd.scan.msk.f32 $0xffff, v14;
	vm15 =	vmor vm2, vm0;
	[tilespmem:v9+s21+$0x0] =	vst.idx.add.f32.msk vm3, v10;
	v10, _, _ =	vpop (xrf2)  }
0x8b: {  	[tilespmem:v8+s21+$0x0] =	vst.idx.add.f32.msk vm13, v10  }
0x8c: {  	v17 =	vsub.f32 $0.0e+00, v10;
	v10 =	vld [tilespmem:s31+$0xFFFFFFF0]  }
0x8d: {  	v4 =	vld [tilespmem:s30+$0xFFFFFFF0];
	(xrf2) =	vadd.scan.msk.f32 $0xffff, v16  }
0x8e: {  	v9 =	vld [tilespmem:s31+$0xFFFFFFE0]  }
0x8f: {  	v14, _, _ =	vpop (xrf2);
	v8 =	vperm.xlane v5, v1;
	[tilespmem:v12+s21+$0x0] =	vst.idx.add.f32.msk vm12, v17;
	v12 =	vsub.f32 $0.0e+00, v15  }
0x90: {  	s1 =	simm.s32 $0xCC;
	v11 =	vsub.f32 $0.0e+00, v14;
	[tilespmem:v13+s21+$0x0] =	vst.idx.add.f32.msk vm15, v14  }
.LBB2_6:
0x91: {  	s1 =	sadd.s32 $0x4, s1;
	vm3 =	vne.s32 v5, v8;
	(xrf2) =	vadd.scan.msk.f32 $0xffff, v10;
	[tilespmem:v7+s21+$0x0] =	vst.idx.add.f32.msk vm1, v12  }
0x92: {  	s30 =	sadd.s32 $0x40, s30;
	p0 =	slt.u32 s1, $0x4AC;
	vm4 =	vmor vm3, vm0;
	[tilespmem:v6+s21+$0x0] =	vst.idx.add.f32.msk vm2, v11  }
0x93: {  	v13 =	vld [tilespmem:s30+$0xFFFFFFD0]  }
0x94: {  	s31 =	sadd.s32 $0x40, s31;
	v11 =	vperm.xlane v4, v1;
	v14 =	vld [tilespmem:s30+$0xFFFFFFE0];
	v12, _, _ =	vpop (xrf2);
	(xrf2) =	vadd.scan.msk.f32 $0xffff, v9  }
0x95: {  	v9 =	vld [tilespmem:s31+$0xFFFFFFD0]  }
0x96: {  	v7 =	vperm.xlane v3, v1;
	vm5 =	vne.s32 v4, v11;
	v10 =	vld [tilespmem:s30+$0x0]  }
0x97: {  	v6 =	vperm.xlane v2, v1;
	vm6 =	vmor vm5, vm0;
	v15 =	vld [tilespmem:s31+$0x0];
	v16, _, _ =	vpop (xrf2)  }
0x98: {  	vm1 =	vne.s32 v3, v7;
	[tilespmem:v5+s21+$0x0] =	vst.idx.add.f32.msk vm4, v16;
	v17 =	vsub.f32 $0.0e+00, v16  }
0x99: {  	vm2 =	vne.s32 v2, v6;
	vm4 =	vmor vm1, vm0;
	v16 =	vld [tilespmem:s30+$0xFFFFFFF0]  }
0x9a: {  	vm7 =	vmor vm2, vm0;
	(xrf2) =	vadd.scan.msk.f32 $0xffff, v9;
	[tilespmem:v8+s21+$0x0] =	vst.idx.add.f32.msk vm3, v17  }
0x9b: {  	v9 =	vld [tilespmem:s31+$0xFFFFFFE0];
	v8, _, _ =	vpop (xrf2);
	v5 =	vmov v10  }
.Ltmp2:
0x9c: {  	v10 =	vld [tilespmem:s31+$0xFFFFFFF0];
	v17 =	vsub.f32 $0.0e+00, v8;
	(pc) =	sbr.rel @p0 .LBB2_6-.Ltmp2, $4  }
0x9d: {  	(xrf2) =	vadd.scan.msk.f32 $0xffff, v15;
	[tilespmem:v4+s21+$0x0] =	vst.idx.add.f32.msk vm6, v8  }
0x9e: {  	[tilespmem:v11+s21+$0x0] =	vst.idx.add.f32.msk vm5, v17;
	v15, _, _ =	vpop (xrf2);
	v4 =	vmov v16  }
0x9f: {  	v8 =	vperm.xlane v5, v1;
	[tilespmem:v3+s21+$0x0] =	vst.idx.add.f32.msk vm4, v12;
	v12 =	vsub.f32 $0.0e+00, v12;
	v11 =	vsub.f32 $0.0e+00, v15;
	v3 =	vmovc v13  }
0xa0: {  	[tilespmem:v2+s21+$0x0] =	vst.idx.add.f32.msk vm7, v15;
	v2 =	vmov v14  }
0xa1: {  	_ = 	snop  }
0xa2: {  	(xrf2) =	vadd.scan.msk.f32 $0xffff, v10  }
0xa3: {  	vm3 =	vne.s32 v5, v8;
	(xrf2) =	vadd.scan.msk.f32 $0xffff, v9;
	v9 =	vperm.xlane v3, v1  }
0xa4: {  	v10 =	vperm.xlane v4, v1;
	vm4 =	vmor vm3, vm0  }
0xa5: {  	v13 =	vperm.xlane v2, v1;
	vm7 =	vne.s32 v3, v9  }
0xa6: {  	[tilespmem:v7+s21+$0x0] =	vst.idx.add.f32.msk vm1, v12;
	vm5 =	vne.s32 v4, v10;
	vm1 =	vmor vm7, vm0  }
0xa7: {  	vm8 =	vne.s32 v2, v13;
	vm6 =	vmor vm5, vm0;
	v14, _, _ =	vpop (xrf2)  }
0xa8: {  	[tilespmem:v6+s21+$0x0] =	vst.idx.add.f32.msk vm2, v11;
	vm2 =	vmor vm8, vm0;
	v7, _, _ =	vpop (xrf2)  }
0xa9: {  	v6 =	vsub.f32 $0.0e+00, v7  }
0xaa: {  	[tilespmem:v5+s21+$0x0] =	vst.idx.add.f32.msk vm4, v7  }
0xab: {  	[tilespmem:v8+s21+$0x0] =	vst.idx.add.f32.msk vm3, v6  }
0xac: {  	v5, _, _ =	vpop (xrf2);
	[tilespmem:v3+s21+$0x0] =	vst.idx.add.f32.msk vm1, v14  }
0xad: {  	v3 =	vsub.f32 $0.0e+00, v14;
	[tilespmem:v4+s21+$0x0] =	vst.idx.add.f32.msk vm6, v5;
	v4, _, _ =	vpop (xrf2)  }
0xae: {  	v6 =	vsub.f32 $0.0e+00, v5;
	[tilespmem:v2+s21+$0x0] =	vst.idx.add.f32.msk vm2, v4  }
0xaf: {  	v5 =	vsub.f32 $0.0e+00, v4;
	[tilespmem:v9+s21+$0x0] =	vst.idx.add.f32.msk vm7, v3  }
0xb0: {  	[tilespmem:v10+s21+$0x0] =	vst.idx.add.f32.msk vm5, v6  }
0xb1: {  	[tilespmem:v13+s21+$0x0] =	vst.idx.add.f32.msk vm8, v5  }
0xb2: {  	_ =	strace $0x9000004C  }
0xb3: {  	_ =	strace $0x8000004D  }
0xb4: {  	_ =	swait.ge [sflag:s23], $0x3E80  }
0xb5: {  	[sflag:s23] =	ssyncset.done $0x0  }
0xb6: {  	[sflag:s23] =	ssyncadd.s32 $0xFFFFC180  }
0xb7: {  	_ =	swait.ge [sflag:s23], $0x3E80  }
0xb8: {  	[sflag:s23] =	ssyncset.done $0x0  }
0xb9: {  	[sflag:s23] =	ssyncadd.s32 $0xFFFFC180  }
0xba: {  	_ =	strace $0x9000004D  }
0xbb: {  	s1 =	simm.s32 $0x0;
	_ =	strace $0x8000004E  }
0xbc: {  	v2 =	vld [tilespmem:s1+$0x4B10];
	_ =	sdelay $0x2  }
0xbd: {  	v3 =	vld [tilespmem:s1+$0x4B30];
	_ =	sdelay $0x1  }
0xbe: {  	v6 =	vld [tilespmem:s1+$0x11330];
	(xrf2) =	vadd.scan.msk.f32 $0xffff, v2  }
0xbf: {  	v8 =	vld [tilespmem:s1+$0x11310]  }
0xc0: {  	v2 =	vld [tilespmem:s1+$0x4B00]  }
0xc1: {  	(xrf2) =	vadd.scan.msk.f32 $0xffff, v3  }
0xc2: {  	v7 =	vld [tilespmem:s1+$0x11300]  }
0xc3: {  	v4 =	vld [tilespmem:s1+$0x4B20];
	v9 =	vperm.xlane v6, v1;
	_ =	sdelay $0x1  }
0xc4: {  	s31 =	simm.s32 $0x40;
	v11 =	vld [tilespmem:s1+$0x11320];
	v60 =	vperm.xlane v8, v1;
	vm1 =	vne.s32 v6, v9;
	(xrf2) =	vadd.scan.msk.f32 $0xffff, v2  }
0xc5: {  	v59 =	vld [tilespmem:s31+$0x4B30];
	vm2 =	vmor vm1, vm0  }
0xc6: {  	v61 =	vld [tilespmem:s31+$0x4B10];
	v10 =	vperm.xlane v7, v1;
	vm5 =	vne.s32 v8, v60  }
0xc7: {  	v62 =	vld [tilespmem:s31+$0x4B00];
	vm6 =	vmor vm5, vm0;
	v15, _, _ =	vpop (xrf2);
	(xrf2) =	vadd.scan.msk.f32 $0xffff, v4  }
0xc8: {  	v3 =	vld [tilespmem:s31+$0x11300];
	vm3 =	vne.s32 v7, v10  }
0xc9: {  	vm4 =	vmor vm3, vm0;
	v2 =	vld [tilespmem:s31+$0x11320]  }
0xca: {  	v5 =	vperm.xlane v11, v1;
	v4 =	vld [tilespmem:s31+$0x11310];
	v16, _, _ =	vpop (xrf2)  }
0xcb: {  	[tilespmem:v6+s21+$0x0] =	vst.idx.add.f32.msk vm2, v16  }
0xcc: {  	(xrf2) =	vadd.scan.msk.f32 $0xffff, v61;
	v16 =	vsub.f32 $0.0e+00, v16;
	vm2 =	vne.s32 v11, v5;
	v6 =	vld [tilespmem:s31+$0x11330]  }
0xcd: {  	[tilespmem:v8+s21+$0x0] =	vst.idx.add.f32.msk vm6, v15;
	vm7 =	vmor vm2, vm0  }
0xce: {  	v15 =	vsub.f32 $0.0e+00, v15;
	vm2 =	vmmov vm2;
	[tilespmem:v9+s21+$0x0] =	vst.idx.add.f32.msk vm1, v16;
	v9, _, _ =	vpop (xrf2)  }
0xcf: {  	(xrf2) =	vadd.scan.msk.f32 $0xffff, v59;
	[tilespmem:v7+s21+$0x0] =	vst.idx.add.f32.msk vm4, v9;
	v9 =	vsub.f32 $0.0e+00, v9;
	v7 =	vperm.xlane v2, v1  }
0xd0: {  	[tilespmem:v60+s21+$0x0] =	vst.idx.add.f32.msk vm5, v15  }
0xd1: {  	v8 =	vperm.xlane v6, v1;
	[tilespmem:v10+s21+$0x0] =	vst.idx.add.f32.msk vm3, v9;
	vm4 =	vne.s32 v2, v7;
	v63, _, _ =	vpop (xrf2)  }
0xd2: {  	vm1 =	vmmov vm7;
	(xrf2) =	vadd.scan.msk.f32 $0xffff, v62;
	v9 =	vld [tilespmem:s31+$0x4B20];
	vm5 =	vmor vm4, vm0;
	v10 =	vsub.f32 $0.0e+00, v63  }
0xd3: {  	s30 =	simm.s32 $0x4B4;
	s1 =	simm.s32 $0x200;
	vm3 =	vne.s32 v6, v8;
	vm1 =	vmmov vm5;
	[tilespmem:v11+s21+$0x0] =	vst.idx.add.f32.msk vm7, v63  }
.LBB2_8:
0xd4: {  	s31 =	sshra.s32 s1, $0x2;
	s30 =	sadd.s32 $0x4, s30;
	vm6 =	vmor vm3, vm0;
	[tilespmem:v5+s21+$0x0] =	vst.idx.add.f32.msk vm2, v10;
	v5 =	vmov v7;
	vm2 =	vmmov vm4  }
0xd5: {  	v11 =	vperm.xlane v3, v1;
	v10 =	vld [tilespmem:s31+$0x11300];
	p0 =	slt.u32 s30, $0x894  }
0xd6: {  	v13 =	vperm.xlane v4, v1;
	v12 =	vld [tilespmem:s31+$0x4B30];
	v14, _, _ =	vpop (xrf2)  }
0xd7: {  	vm5 =	vne.s32 v3, v11;
	v7 =	vld [tilespmem:s31+$0x4B10];
	(xrf2) =	vadd.scan.msk.f32 $0xffff, v9  }
0xd8: {  	vm7 =	vne.s32 v4, v13;
	vm4 =	vmor vm5, vm0;
	v15 =	vld [tilespmem:s31+$0x11320]  }
0xd9: {  	vm8 =	vmor vm7, vm0;
	v9 =	vld [tilespmem:s31+$0x11310];
	v16, _, _ =	vpop (xrf2)  }
0xda: {  	[tilespmem:v6+s21+$0x0] =	vst.idx.add.f32.msk vm6, v16;
	v16 =	vsub.f32 $0.0e+00, v16  }
0xdb: {  	v6 =	vld [tilespmem:s31+$0x11330]  }
0xdc: {  	(xrf2) =	vadd.scan.msk.f32 $0xffff, v7;
	[tilespmem:v8+s21+$0x0] =	vst.idx.add.f32.msk vm3, v16;
	v8, _, _ =	vpop (xrf2)  }
0xdd: {  	v16 =	vld [tilespmem:s31+$0x4B00]  }
0xde: {  	v7 =	vperm.xlane v15, v1;
	[tilespmem:v3+s21+$0x0] =	vst.idx.add.f32.msk vm4, v8;
	v8 =	vsub.f32 $0.0e+00, v8;
	v3 =	vmov v10  }
.Ltmp3:
0xdf: {  	v10 =	vsub.f32 $0.0e+00, v14;
	(xrf2) =	vadd.scan.msk.f32 $0xffff, v12;
	[tilespmem:v4+s21+$0x0] =	vst.idx.add.f32.msk vm8, v14;
	v4 =	vmov v9;
	(pc) =	sbr.rel @p0 .LBB2_8-.Ltmp3, $4  }
0xe0: {  	vm4 =	vne.s32 v15, v7;
	[tilespmem:v11+s21+$0x0] =	vst.idx.add.f32.msk vm5, v8  }
0xe1: {  	vm5 =	vmor vm4, vm0;
	v8 =	vperm.xlane v6, v1;
	[tilespmem:v13+s21+$0x0] =	vst.idx.add.f32.msk vm7, v10;
	v11, _, _ =	vpop (xrf2)  }
0xe2: {  	v9 =	vld [tilespmem:s31+$0x4B20];
	(xrf2) =	vadd.scan.msk.f32 $0xffff, v16;
	v10 =	vsub.f32 $0.0e+00, v11  }
0xe3: {  	s1 =	sadd.s32 $0x100, s1;
	vm3 =	vne.s32 v6, v8;
	[tilespmem:v2+s21+$0x0] =	vst.idx.add.f32.msk vm1, v11;
	v2 =	vmov v15;
	vm1 =	vmmov vm5  }
0xe4: {  	_ =	sdelay $0x1  }
0xe5: {  	v11 =	vperm.xlane v3, v1  }
0xe6: {  	vm5 =	vmor vm3, vm0  }
0xe7: {  	vm6 =	vne.s32 v3, v11;
	(xrf2) =	vadd.scan.msk.f32 $0xffff, v9;
	v9, _, _ =	vpop (xrf2)  }
0xe8: {  	v12 =	vperm.xlane v4, v1;
	vm7 =	vmor vm6, vm0;
	v13, _, _ =	vpop (xrf2)  }
0xe9: {  	[tilespmem:v5+s21+$0x0] =	vst.idx.add.f32.msk vm2, v10;
	v5 =	vsub.f32 $0.0e+00, v13  }
0xea: {  	vm8 =	vne.s32 v4, v12  }
0xeb: {  	vm9 =	vmor vm8, vm0  }
0xec: {  	[tilespmem:v6+s21+$0x0] =	vst.idx.add.f32.msk vm5, v13  }
0xed: {  	[tilespmem:v8+s21+$0x0] =	vst.idx.add.f32.msk vm3, v5;
	v5, _, _ =	vpop (xrf2)  }
0xee: {  	[tilespmem:v3+s21+$0x0] =	vst.idx.add.f32.msk vm7, v5;
	v3 =	vsub.f32 $0.0e+00, v5;
	_ =	sdelay $0x2  }
0xef: {  	[tilespmem:v4+s21+$0x0] =	vst.idx.add.f32.msk vm9, v9;
	v4 =	vsub.f32 $0.0e+00, v9  }
0xf0: {  	[tilespmem:v11+s21+$0x0] =	vst.idx.add.f32.msk vm6, v3;
	v3, _, _ =	vpop (xrf2)  }
0xf1: {  	[tilespmem:v12+s21+$0x0] =	vst.idx.add.f32.msk vm8, v4;
	v4 =	vsub.f32 $0.0e+00, v3  }
0xf2: {  	[tilespmem:v2+s21+$0x0] =	vst.idx.add.f32.msk vm1, v3  }
0xf3: {  	[tilespmem:v7+s21+$0x0] =	vst.idx.add.f32.msk vm4, v4  }
0xf4: {  	_ =	strace $0x9000004E  }
0xf5: {  	_ =	strace $0x8000004F  }
0xf6: {  	_ =	swait.ge [sflag:s24], $0x3E80  }
0xf7: {  	[sflag:s24] =	ssyncset.done $0x0  }
0xf8: {  	[sflag:s24] =	ssyncadd.s32 $0xFFFFC180  }
0xf9: {  	_ =	swait.ge [sflag:s24], $0x3E80  }
0xfa: {  	[sflag:s24] =	ssyncset.done $0x0  }
0xfb: {  	[sflag:s24] =	ssyncadd.s32 $0xFFFFC180  }
0xfc: {  	_ =	strace $0x9000004F  }
0xfd: {  	s1 =	simm.s32 $0x0;
	_ =	strace $0x80000050  }
0xfe: {  	v2 =	vld [tilespmem:s1+$0x8990];
	_ =	sdelay $0x2  }
0xff: {  	v3 =	vld [tilespmem:s1+$0x89B0];
	_ =	sdelay $0x1  }
0x100: {  	v6 =	vld [tilespmem:s1+$0x151B0];
	(xrf2) =	vadd.scan.msk.f32 $0xffff, v2  }
0x101: {  	v8 =	vld [tilespmem:s1+$0x15190]  }
0x102: {  	v2 =	vld [tilespmem:s1+$0x8980]  }
0x103: {  	(xrf2) =	vadd.scan.msk.f32 $0xffff, v3  }
0x104: {  	v7 =	vld [tilespmem:s1+$0x15180]  }
0x105: {  	v4 =	vld [tilespmem:s1+$0x89A0];
	v9 =	vperm.xlane v6, v1;
	_ =	sdelay $0x1  }
0x106: {  	vm2 =	vmmov vm4;
	s31 =	simm.s32 $0x40;
	v11 =	vld [tilespmem:s1+$0x151A0];
	v61 =	vperm.xlane v8, v1;
	vm1 =	vne.s32 v6, v9;
	(xrf2) =	vadd.scan.msk.f32 $0xffff, v2  }
0x107: {  	v60 =	vld [tilespmem:s31+$0x89B0];
	vm2 =	vmor vm1, vm0  }
0x108: {  	v14 =	vld [tilespmem:s31+$0x8990];
	v10 =	vperm.xlane v7, v1;
	vm5 =	vne.s32 v8, v61  }
0x109: {  	v62 =	vld [tilespmem:s31+$0x8980];
	vm6 =	vmor vm5, vm0;
	v15, _, _ =	vpop (xrf2);
	(xrf2) =	vadd.scan.msk.f32 $0xffff, v4  }
0x10a: {  	v3 =	vld [tilespmem:s31+$0x15180];
	vm3 =	vne.s32 v7, v10  }
0x10b: {  	vm4 =	vmor vm3, vm0;
	v2 =	vld [tilespmem:s31+$0x151A0]  }
0x10c: {  	v5 =	vperm.xlane v11, v1;
	v4 =	vld [tilespmem:s31+$0x15190];
	v16, _, _ =	vpop (xrf2)  }
0x10d: {  	[tilespmem:v6+s21+$0x0] =	vst.idx.add.f32.msk vm2, v16  }
0x10e: {  	(xrf2) =	vadd.scan.msk.f32 $0xffff, v14;
	v16 =	vsub.f32 $0.0e+00, v16;
	vm2 =	vne.s32 v11, v5;
	v6 =	vld [tilespmem:s31+$0x151B0]  }
0x10f: {  	[tilespmem:v8+s21+$0x0] =	vst.idx.add.f32.msk vm6, v15;
	vm7 =	vmor vm2, vm0  }
0x110: {  	v15 =	vsub.f32 $0.0e+00, v15;
	vm2 =	vmmov vm2;
	[tilespmem:v9+s21+$0x0] =	vst.idx.add.f32.msk vm1, v16;
	v9, _, _ =	vpop (xrf2)  }
0x111: {  	(xrf2) =	vadd.scan.msk.f32 $0xffff, v60;
	[tilespmem:v7+s21+$0x0] =	vst.idx.add.f32.msk vm4, v9;
	v9 =	vsub.f32 $0.0e+00, v9;
	v7 =	vperm.xlane v2, v1  }
0x112: {  	[tilespmem:v61+s21+$0x0] =	vst.idx.add.f32.msk vm5, v15  }
0x113: {  	v8 =	vperm.xlane v6, v1;
	[tilespmem:v10+s21+$0x0] =	vst.idx.add.f32.msk vm3, v9;
	vm4 =	vne.s32 v2, v7;
	v63, _, _ =	vpop (xrf2)  }
0x114: {  	vm1 =	vmmov vm7;
	(xrf2) =	vadd.scan.msk.f32 $0xffff, v62;
	v9 =	vld [tilespmem:s31+$0x89A0];
	vm5 =	vmor vm4, vm0;
	v10 =	vsub.f32 $0.0e+00, v63  }
0x115: {  	s30 =	simm.s32 $0x89C;
	s1 =	simm.s32 $0x200;
	vm3 =	vne.s32 v6, v8;
	vm1 =	vmmov vm5;
	[tilespmem:v11+s21+$0x0] =	vst.idx.add.f32.msk vm7, v63  }
.LBB2_10:
0x116: {  	s31 =	sshra.s32 s1, $0x2;
	s30 =	sadd.s32 $0x4, s30;
	vm6 =	vmor vm3, vm0;
	[tilespmem:v5+s21+$0x0] =	vst.idx.add.f32.msk vm2, v10;
	v5 =	vmov v7;
	vm2 =	vmmov vm4  }
0x117: {  	v11 =	vperm.xlane v3, v1;
	v10 =	vld [tilespmem:s31+$0x15180];
	p0 =	slt.u32 s30, $0xC7C  }
0x118: {  	v13 =	vperm.xlane v4, v1;
	v12 =	vld [tilespmem:s31+$0x89B0];
	v14, _, _ =	vpop (xrf2)  }
0x119: {  	vm5 =	vne.s32 v3, v11;
	v7 =	vld [tilespmem:s31+$0x8990];
	(xrf2) =	vadd.scan.msk.f32 $0xffff, v9  }
0x11a: {  	vm7 =	vne.s32 v4, v13;
	vm4 =	vmor vm5, vm0;
	v15 =	vld [tilespmem:s31+$0x151A0]  }
0x11b: {  	vm8 =	vmor vm7, vm0;
	v9 =	vld [tilespmem:s31+$0x15190];
	v16, _, _ =	vpop (xrf2)  }
0x11c: {  	[tilespmem:v6+s21+$0x0] =	vst.idx.add.f32.msk vm6, v16;
	v16 =	vsub.f32 $0.0e+00, v16  }
0x11d: {  	v6 =	vld [tilespmem:s31+$0x151B0]  }
0x11e: {  	(xrf2) =	vadd.scan.msk.f32 $0xffff, v7;
	[tilespmem:v8+s21+$0x0] =	vst.idx.add.f32.msk vm3, v16;
	v8, _, _ =	vpop (xrf2)  }
0x11f: {  	v16 =	vld [tilespmem:s31+$0x8980]  }
0x120: {  	v7 =	vperm.xlane v15, v1;
	[tilespmem:v3+s21+$0x0] =	vst.idx.add.f32.msk vm4, v8;
	v8 =	vsub.f32 $0.0e+00, v8;
	v3 =	vmov v10  }
.Ltmp4:
0x121: {  	v10 =	vsub.f32 $0.0e+00, v14;
	(xrf2) =	vadd.scan.msk.f32 $0xffff, v12;
	[tilespmem:v4+s21+$0x0] =	vst.idx.add.f32.msk vm8, v14;
	v4 =	vmov v9;
	(pc) =	sbr.rel @p0 .LBB2_10-.Ltmp4, $4  }
0x122: {  	vm4 =	vne.s32 v15, v7;
	[tilespmem:v11+s21+$0x0] =	vst.idx.add.f32.msk vm5, v8  }
0x123: {  	vm5 =	vmor vm4, vm0;
	v8 =	vperm.xlane v6, v1;
	[tilespmem:v13+s21+$0x0] =	vst.idx.add.f32.msk vm7, v10;
	v11, _, _ =	vpop (xrf2)  }
0x124: {  	v9 =	vld [tilespmem:s31+$0x89A0];
	(xrf2) =	vadd.scan.msk.f32 $0xffff, v16;
	v10 =	vsub.f32 $0.0e+00, v11  }
0x125: {  	s1 =	sadd.s32 $0x100, s1;
	vm3 =	vne.s32 v6, v8;
	[tilespmem:v2+s21+$0x0] =	vst.idx.add.f32.msk vm1, v11;
	v2 =	vmov v15;
	vm1 =	vmmov vm5  }
0x126: {  	v11 =	vperm.xlane v3, v1;
	_ =	sdelay $0x1  }
0x127: {  	vm6 =	vne.s32 v3, v11  }
0x128: {  	v12 =	vperm.xlane v4, v1;
	(xrf2) =	vadd.scan.msk.f32 $0xffff, v9;
	vm7 =	vmor vm6, vm0  }
0x129: {  	vm5 =	vmor vm3, vm0  }
0x12a: {  	vm8 =	vne.s32 v4, v12  }
0x12b: {  	v59, _, _ =	vpop (xrf2);
	vm9 =	vmor vm8, vm0  }
0x12c: {  	v13, _, _ =	vpop (xrf2)  }
0x12d: {  	[tilespmem:v5+s21+$0x0] =	vst.idx.add.f32.msk vm2, v10;
	v61, _, _ =	vpop (xrf2)  }
0x12e: {  	v60 =	vsub.f32 $0.0e+00, v13;
	[tilespmem:v3+s21+$0x0] =	vst.idx.add.f32.msk vm7, v61;
	v3 =	vsub.f32 $0.0e+00, v61  }
0x12f: {  	[tilespmem:v6+s21+$0x0] =	vst.idx.add.f32.msk vm5, v13  }
0x130: {  	[tilespmem:v8+s21+$0x0] =	vst.idx.add.f32.msk vm3, v60  }
0x131: {  	v62 =	vsub.f32 $0.0e+00, v59;
	[tilespmem:v4+s21+$0x0] =	vst.idx.add.f32.msk vm9, v59  }
0x132: {  	[tilespmem:v11+s21+$0x0] =	vst.idx.add.f32.msk vm6, v3;
	v3, _, _ =	vpop (xrf2)  }
0x133: {  	[tilespmem:v12+s21+$0x0] =	vst.idx.add.f32.msk vm8, v62;
	v63 =	vsub.f32 $0.0e+00, v3  }
0x134: {  	s29 =	sadd.s32 $0x1, s29;
	[tilespmem:v2+s21+$0x0] =	vst.idx.add.f32.msk vm1, v3  }
0x135: {  	p0 =	sne.s32 s29, s12;
	[tilespmem:v7+s21+$0x0] =	vst.idx.add.f32.msk vm4, v63  }
.Ltmp5:
0x136: {  	_ =	strace $0x90000050;
	(pc) =	sbr.rel @p0 .LBB2_1-.Ltmp5, $4  }
0x137: {  	[hbm4b:s11+s25] =	stream.strided.scatter [tilespmem:s21], [sflag:$0x5], $0xC80, s26, s25, $0x38;
	[tilespmem:$0x19C80] =	vst v63  }
0x138: {  	_ =	swait.ge [sflag:s28], $0xC80  }
0x139: {  	[sflag:s28] =	ssyncset.done $0x0  }
0x13a: {  	vm2 =	vmmov vm4;
	[sflag:s28] =	ssyncadd.s32 $0xFFFFF380  }
0x13b: {  	_ =	sfence.sel $0x180000  }
0x13c: {  	[bflag:$0x0] =	sbarrier.arrive $0xFFFF  }
0x13d: {  	_ =	strace $0x90000047  }
0x13e: {  	[bflag:$0x2] =	sbarrier.arrive $0xFFFF  }
0x13f: {  	p0 =	sne.s32 s0, $0x0;
	s0 =	rddreg [dreg:$0x3]  }
0x140: {  	s0 =	sadd.s32 @!p0 $0x100000, s0  }
0x141: {  	[sflag:s0] =	ssyncadd.tile.s32 @!p0 $0x1;
	_ =	shalt  }
.Lfunc_end2:
_tile_overlayer_lowered:
.L_overlay_start_2:
0x142: {  	(tag) =	ssettag $0x2  }
0x143: {  	s0 =	rddreg [dreg:$0x0];
	s2 =	stileid.u32  }
0x144: {  	s1 =	rddreg [dreg:$0x1];
	p0 =	sne.s32 s2, $0x0  }
0x145: {  	s3 =	rddreg [dreg:$0x2];
	[bflag:$0x3] =	sbarrier.arrive $0xFFFF;
	s2 =	simm.s32 @!p0 $0x1C05  }
0x146: {  	[timem:s3], [sflag:s2] =	dma.local @!p0 [hbm:s0], s1  }
0x147: {  	s0 =	simm.s32 @!p0 $0x5  }
0x148: {  	_ =	swait.ge @!p0 [sflag:s0], s1  }
0x149: {  	s1 =	ssub.s32 @!p0 $0x0, s1;
	[sflag:s0] =	ssyncset.done @!p0 $0x0  }
0x14a: {  	[sflag:s0] =	ssyncadd.s32 @!p0 s1  }
0x14b: {  	[bflag:$0x3] =	sbarrier.arrive $0xFFFF  }
0x14c: {  	_ =	shalt  }

</sc_bundles>
